<compile_context>
chip_gen: v7x
topology: tpu7x:2x2x1
jax: 0.10.2.dev20260603
libtpu: 0.0.44.dev20260713+nightly
codegen_flags: <defaults>
</compile_context>

<pallas_src>
import dataclasses

import jax
import jax.numpy as jnp
from jax.experimental import pallas as pl
from jax.experimental.pallas import tpu as pltpu
from jax.experimental.pallas import tpu_sc as plsc

_SPLIT = 96
_NB = 8
_CB = 128
_LANES = 16

_CP = pltpu.CompilerParams()
if "needs_layout_passes" in pltpu.CompilerParams.__dataclass_fields__:
    _CP = dataclasses.replace(_CP, needs_layout_passes=False)


def _tc_kernel_body(x_ref, tpT_ref, masked_ref, tmpl_ref):
    tpT = tpT_ref[...]
    for n in range(_NB):
        xb = x_ref[n]
        hw, c = xb.shape
        mx = jnp.max(xb, axis=0)
        iota = jax.lax.broadcasted_iota(jnp.int32, (hw, c), 0)
        idx = jnp.min(jnp.where(xb == mx[None, :], iota, hw), axis=0)
        idx = jnp.where(mx == 0.0, hw - 1, idx)
        onehot = (iota == idx[None, :]).astype(jnp.float32)
        tmpl = jax.lax.dot_general(
            tpT, onehot, (((1,), (0,)), ((), ())),
            preferred_element_type=jnp.float32)
        tmpl_ref[n] = tmpl
        masked_ref[n] = jnp.maximum(xb * tmpl, 0.0)


def _tc_part(xr, tpT, nb_batches):
    hw, c = xr.shape[1], xr.shape[2]
    return pl.pallas_call(
        _tc_kernel_body,
        grid=(nb_batches // _NB,),
        in_specs=[
            pl.BlockSpec((_NB, hw, c), lambda i: (i, 0, 0)),
            pl.BlockSpec((hw, hw), lambda i: (0, 0)),
        ],
        out_specs=[
            pl.BlockSpec((_NB, hw, c), lambda i: (i, 0, 0)),
            pl.BlockSpec((_NB, hw, c), lambda i: (i, 0, 0)),
        ],
        out_shape=[
            jax.ShapeDtypeStruct((nb_batches, hw, c), jnp.float32),
            jax.ShapeDtypeStruct((nb_batches, hw, c), jnp.float32),
        ],
        compiler_params=pltpu.CompilerParams(
            dimension_semantics=("arbitrary",),
        ),
    )(xr, tpT)


def _sc_part(xr, tp1, start, nb_batches):
    b, hw, c = xr.shape
    ncb = c // _CB
    ntask = nb_batches * ncb
    nworker = 32
    per_w = ntask // nworker
    ngrp = _CB // _LANES

    mesh = plsc.VectorSubcoreMesh(
        core_axis_name="core", subcore_axis_name="subcore")

    @pl.kernel(
        out_type=[
            jax.ShapeDtypeStruct((nb_batches, hw, c), jnp.float32),
            jax.ShapeDtypeStruct((nb_batches, hw, c), jnp.float32),
        ],
        mesh=mesh,
        scratch_types=[
            pltpu.VMEM((hw * hw,), jnp.float32),
            pltpu.VMEM((hw, _CB), jnp.float32),
            pltpu.VMEM((hw, _CB), jnp.float32),
            pltpu.VMEM((hw, _CB), jnp.float32),
            pltpu.SemaphoreType.DMA,
        ],
        compiler_params=_CP,
    )
    def sc_kernel(x_hbm, tp_hbm, m_hbm, t_hbm, table_v, x_v, t_v, m_v, sem):
        cid = jax.lax.axis_index("core")
        sid = jax.lax.axis_index("subcore")
        wid = cid * 16 + sid
        pltpu.async_copy(tp_hbm, table_v, sem).wait()

        @pl.loop(0, per_w)
        def _task(t):
            task = wid * per_w + t
            bo = task // ncb
            bi = start + bo
            cb = (task % ncb) * _CB
            pltpu.async_copy(
                x_hbm.at[bi, :, pl.ds(cb, _CB)], x_v, sem).wait()

            def step_a(q, carry):
                mxs, ixs = carry
                new_mx, new_ix = [], []
                for g in range(ngrp):
                    v = x_v[q, pl.ds(g * _LANES, _LANES)]
                    gt = v > mxs[g]
                    qv = jnp.full((_LANES,), q, jnp.int32)
                    new_mx.append(jnp.where(gt, v, mxs[g]))
                    new_ix.append(jnp.where(gt, qv, ixs[g]))
                return (tuple(new_mx), tuple(new_ix))

            mx0 = tuple(x_v[0, pl.ds(g * _LANES, _LANES)]
                        for g in range(ngrp))
            ix0 = tuple(jnp.zeros((_LANES,), jnp.int32) for _ in range(ngrp))
            mxs, ixs = jax.lax.fori_loop(1, hw, step_a, (mx0, ix0))

            bases = []
            for g in range(ngrp):
                ix = jnp.where(mxs[g] == 0.0, hw - 1, ixs[g])
                bases.append(ix * hw)

            def step_b(q, carry):
                for g in range(ngrp):
                    sl = pl.ds(g * _LANES, _LANES)
                    tv = plsc.load_gather(table_v, [bases[g] + q])
                    xv = x_v[q, sl]
                    t_v[q, sl] = tv
                    m_v[q, sl] = jnp.maximum(xv * tv, 0.0)
                return carry

            jax.lax.fori_loop(0, hw, step_b, 0)

            pltpu.async_copy(
                t_v, t_hbm.at[bo, :, pl.ds(cb, _CB)], sem).wait()
            pltpu.async_copy(
                m_v, m_hbm.at[bo, :, pl.ds(cb, _CB)], sem).wait()

    return sc_kernel(xr, tp1)


def kernel(x, t_p):
    b, h, w, c = x.shape
    hw = h * w
    xr = jnp.reshape(x, (b, hw, c))
    tp_flat = jnp.reshape(t_p, (hw, hw))
    tpT = jnp.transpose(tp_flat, (1, 0))
    tp1 = jnp.reshape(t_p, (hw * hw,))

    m_sc, t_sc = _sc_part(xr, tp1, _SPLIT, b - _SPLIT)
    m_tc, t_tc = _tc_part(xr, tpT, _SPLIT)

    masked_r = jnp.concatenate([m_tc, m_sc], axis=0)
    tmpl_r = jnp.concatenate([t_tc, t_sc], axis=0)
    masked = jnp.reshape(masked_r, (b, h, w, c))
    templates = jnp.reshape(tmpl_r, (b, h, w, c))
    return (masked, x, templates)

# --- scband reference (transcript-rebuilt; emitter-appended) ---
"""Pipeline reference for scband-compute-masked-output-fixed-class-55490977464601 (READ-ONLY COPY).

The authoritative reference and input builder live on the scoring server;
editing this copy changes nothing except your own understanding.
"""

import jax, jax.numpy as jnp
import numpy as np

B, H, W, C = 128, 14, 14, 768

def setup_inputs(seed: int = 0) -> dict:
    key = jax.random.key(seed)
    k1, k2 = jax.random.split(key)
    x = jax.random.uniform(k1, (B, H, W, C), dtype=jnp.float32)
    # template bank: t_p[h, w] is an [H, W] spatial template; last row/col entry acts as the 'empty' template
    t_p = jax.random.normal(k2, (H, W, H, W), dtype=jnp.float32)
    return {"x": x, "t_p": t_p}

def reference(x, t_p):
    # eval path of computeMaskedOutput_fixed_class.call (training=False, gt=None, filters_disabled=None)
    b, h, w, c = x.shape
    xr = jnp.reshape(x, (b, h * w, c))
    # max_pool_with_argmax over the full spatial extent, per (batch, channel)
    arg = jnp.argmax(xr, axis=1)              # [B, C] flat spatial index
    max_val = jnp.max(xr, axis=1)             # [B, C]
    h_idx = arg // w
    w_idx = arg % w
    # channels whose spatial max is exactly 0 get redirected to the 'empty' template slot
    empty = (max_val == 0.0)
    last = t_p.shape[0] - 1
    h_idx = jnp.where(empty, last, h_idx)
    w_idx = jnp.where(empty, last, w_idx)
    # gather per-(b,c) spatial templates: scatter/gather-heavy, memory bound
    templates = t_p[h_idx, w_idx]             # [B, C, H, W]
    templates = jnp.transpose(templates, (0, 2, 3, 1))  # [B, H, W, C]
    masked = jax.nn.relu(x * templates)
    # original returns (masked, x, templates, target=None); drop the None here
    return (masked, x, templates)

if __name__ == "__main__":
    import jax
    _d = setup_inputs()
    print(jax.jit(kernel)(*tuple(_d.values())))

</pallas_src>

<mosaic_0001>
#map = affine_map<(d0, d1) -> (0, 0, 0)>
#map1 = affine_map<(d0, d1) -> (0)>
module attributes {stable_mosaic.version = 14 : i64} {
  func.func @sc_kernel(%arg0: i32, %arg1: i32, %arg2: memref<128x196x768xf32, #tpu.memory_space<hbm>>, %arg3: memref<38416xf32, #tpu.memory_space<hbm>>, %arg4: memref<32x196x768xf32, #tpu.memory_space<hbm>>, %arg5: memref<32x196x768xf32, #tpu.memory_space<hbm>>, %arg6: memref<38416xf32, #tpu.memory_space<vmem>>, %arg7: memref<196x128xf32, #tpu.memory_space<vmem>>, %arg8: memref<196x128xf32, #tpu.memory_space<vmem>>, %arg9: memref<196x128xf32, #tpu.memory_space<vmem>>, %arg10: memref<!tpu.dma_semaphore, #tpu.memory_space<semaphore_mem>>) attributes {dimension_semantics = [#tpu.dimension_semantics<core_parallel>, #tpu.dimension_semantics<subcore_parallel>], iteration_bounds = array<i64: 2, 16>, scalar_prefetch = 0 : i64, scratch_operands = 5 : i64, tpu.core_type = #tpu.core_type<sc_vector_subcore>, window_params = [{transform_indices = #map}, {transform_indices = #map1}, {transform_indices = #map}, {transform_indices = #map}]} {
    %mul3A = arith.constant 16 : i32
    %mul3A_0 = arith.muli %arg0, %mul3A : i32
    %add3A = arith.addi %mul3A_0, %arg1 : i32
    tpu.enqueue_dma source(%arg3 : memref<38416xf32, #tpu.memory_space<hbm>>) target(%arg6 : memref<38416xf32, #tpu.memory_space<vmem>>) target_semaphore(%arg10 : memref<!tpu.dma_semaphore, #tpu.memory_space<semaphore_mem>>)
    tpu.wait_dma2 semaphore(%arg10 : memref<!tpu.dma_semaphore, #tpu.memory_space<semaphore_mem>>) src(%arg3 : memref<38416xf32, #tpu.memory_space<hbm>>) dst(%arg6 : memref<38416xf32, #tpu.memory_space<vmem>>)
    %scan3A = arith.constant 0 : i32
    %scan3A_1 = arith.constant 6 : i32
    %scan3A_2 = arith.addi %scan3A, %scan3A_1 : i32
    %scan3A_3 = arith.constant 1 : i32
    scf.for %scan3A_5 = %scan3A to %scan3A_2 step %scan3A_3  : i32 {
      %mul3A_6 = arith.constant 1 : i32
      %mul3A_7 = arith.muli %scan3A_5, %mul3A_6 : i32
      %add3A_8 = arith.constant 0 : i32
      %add3A_9 = arith.addi %add3A_8, %mul3A_7 : i32
      %mul3A_10 = arith.constant 6 : i32
      %mul3A_11 = arith.muli %add3A, %mul3A_10 : i32
      %add3A_12 = arith.addi %mul3A_11, %add3A_9 : i32
      %jit3A = arith.constant 6 : i32
      %div3A = arith.divsi %add3A_12, %jit3A : i32
      %sign3A = arith.constant 0 : i32
      %sign3A_13 = arith.cmpi sgt, %add3A_12, %sign3A : i32
      %sign3A_14 = arith.extui %sign3A_13 : i1 to i32
      %sign3A_15 = arith.constant 0 : i32
      %sign3A_16 = arith.cmpi slt, %add3A_12, %sign3A_15 : i32
      %sign3A_17 = arith.extui %sign3A_16 : i1 to i32
      %sign3A_18 = arith.subi %sign3A_14, %sign3A_17 : i32
      %sign3A_19 = arith.constant 0 : i32
      %sign3A_20 = arith.cmpi sgt, %jit3A, %sign3A_19 : i32
      %sign3A_21 = arith.extui %sign3A_20 : i1 to i32
      %sign3A_22 = arith.constant 0 : i32
      %sign3A_23 = arith.cmpi slt, %jit3A, %sign3A_22 : i32
      %sign3A_24 = arith.extui %sign3A_23 : i1 to i32
      %sign3A_25 = arith.subi %sign3A_21, %sign3A_24 : i32
      %ne3A = arith.cmpi ne, %sign3A_18, %sign3A_25 : i32
      %rem3A = arith.remsi %add3A_12, %jit3A : i32
      %ne3A_26 = arith.constant 0 : i32
      %ne3A_27 = arith.cmpi ne, %rem3A, %ne3A_26 : i32
      %and3A = arith.andi %ne3A, %ne3A_27 : i1
      %sub3A = arith.constant 1 : i32
      %sub3A_28 = arith.subi %div3A, %sub3A : i32
      %select_n3A = arith.select %and3A, %sub3A_28, %div3A : i32
      %add3A_29 = arith.constant 96 : i32
      %add3A_30 = arith.addi %add3A_29, %select_n3A : i32
      %jit3A_31 = arith.constant 6 : i32
      %eq3A = arith.constant 0 : i32
      %eq3A_32 = arith.cmpi eq, %jit3A_31, %eq3A : i32
      %jit3A_33 = arith.constant 1 : i32
      %select_n3A_34 = arith.select %eq3A_32, %jit3A_33, %jit3A_31 : i32
      %rem3A_35 = arith.remsi %add3A_12, %select_n3A_34 : i32
      %ne3A_36 = arith.constant 0 : i32
      %ne3A_37 = arith.cmpi ne, %rem3A_35, %ne3A_36 : i32
      %lt3A = arith.constant 0 : i32
      %lt3A_38 = arith.cmpi slt, %rem3A_35, %lt3A : i32
      %lt3A_39 = arith.constant 0 : i32
      %lt3A_40 = arith.cmpi slt, %select_n3A_34, %lt3A_39 : i32
      %ne3A_41 = arith.xori %lt3A_38, %lt3A_40 : i1
      %and3A_42 = arith.andi %ne3A_41, %ne3A_37 : i1
      %add3A_43 = arith.addi %rem3A_35, %select_n3A_34 : i32
      %select_n3A_44 = arith.select %and3A_42, %add3A_43, %rem3A_35 : i32
      %mul3A_45 = arith.constant 128 : i32
      %mul3A_46 = arith.muli %select_n3A_44, %mul3A_45 : i32
      %dma_start3A = arith.constant 0 : i32
      %dma_start3A_47 = tpu.memref_slice %arg2[%add3A_30, %dma_start3A, %mul3A_46] : memref<128x196x768xf32, #tpu.memory_space<hbm>> -> memref<1x196x128xf32, #tpu.memory_space<hbm>>
      %dma_start3A_48 = tpu.memref_squeeze %dma_start3A_47 : memref<1x196x128xf32, #tpu.memory_space<hbm>> -> memref<196x128xf32, #tpu.memory_space<hbm>>
      %dma_start3A_49 = arith.constant 0 : i32
      %dma_start3A_50 = tpu.memref_slice %arg2[%add3A_30, %dma_start3A_49, %mul3A_46] : memref<128x196x768xf32, #tpu.memory_space<hbm>> -> memref<1x196x128xf32, #tpu.memory_space<hbm>>
      %dma_start3A_51 = tpu.memref_squeeze %dma_start3A_50 : memref<1x196x128xf32, #tpu.memory_space<hbm>> -> memref<196x128xf32, #tpu.memory_space<hbm>>
      tpu.enqueue_dma source(%dma_start3A_51 : memref<196x128xf32, #tpu.memory_space<hbm>>) target(%arg7 : memref<196x128xf32, #tpu.memory_space<vmem>>) target_semaphore(%arg10 : memref<!tpu.dma_semaphore, #tpu.memory_space<semaphore_mem>>)
      %dma_wait3A = arith.constant 0 : i32
      %dma_wait3A_52 = tpu.memref_slice %arg2[%add3A_30, %dma_wait3A, %mul3A_46] : memref<128x196x768xf32, #tpu.memory_space<hbm>> -> memref<1x196x128xf32, #tpu.memory_space<hbm>>
      %dma_wait3A_53 = tpu.memref_squeeze %dma_wait3A_52 : memref<1x196x128xf32, #tpu.memory_space<hbm>> -> memref<196x128xf32, #tpu.memory_space<hbm>>
      %dma_wait3A_54 = arith.constant 0 : i32
      %dma_wait3A_55 = tpu.memref_slice %arg2[%add3A_30, %dma_wait3A_54, %mul3A_46] : memref<128x196x768xf32, #tpu.memory_space<hbm>> -> memref<1x196x128xf32, #tpu.memory_space<hbm>>
      %dma_wait3A_56 = tpu.memref_squeeze %dma_wait3A_55 : memref<1x196x128xf32, #tpu.memory_space<hbm>> -> memref<196x128xf32, #tpu.memory_space<hbm>>
      tpu.wait_dma2 semaphore(%arg10 : memref<!tpu.dma_semaphore, #tpu.memory_space<semaphore_mem>>) src(%dma_wait3A_56 : memref<196x128xf32, #tpu.memory_space<hbm>>) dst(%arg7 : memref<196x128xf32, #tpu.memory_space<vmem>>)
      %get3A = arith.constant 0 : i32
      %get3A_57 = arith.index_cast %get3A : i32 to index
      %get3A_58 = arith.constant 0 : index
      %get3A_59 = tpu.vector_load %arg7[%get3A_57, %get3A_58] {strides = array<i32>} : memref<196x128xf32, #tpu.memory_space<vmem>>, vector<16xf32>,
      %get3A_60 = arith.constant 0 : i32
      %get3A_61 = arith.index_cast %get3A_60 : i32 to index
      %get3A_62 = arith.constant 16 : index
      %get3A_63 = tpu.vector_load %arg7[%get3A_61, %get3A_62] {strides = array<i32>} : memref<196x128xf32, #tpu.memory_space<vmem>>, vector<16xf32>,
      %get3A_64 = arith.constant 0 : i32
      %get3A_65 = arith.index_cast %get3A_64 : i32 to index
      %get3A_66 = arith.constant 32 : index
      %get3A_67 = tpu.vector_load %arg7[%get3A_65, %get3A_66] {strides = array<i32>} : memref<196x128xf32, #tpu.memory_space<vmem>>, vector<16xf32>,
      %get3A_68 = arith.constant 0 : i32
      %get3A_69 = arith.index_cast %get3A_68 : i32 to index
      %get3A_70 = arith.constant 48 : index
      %get3A_71 = tpu.vector_load %arg7[%get3A_69, %get3A_70] {strides = array<i32>} : memref<196x128xf32, #tpu.memory_space<vmem>>, vector<16xf32>,
      %get3A_72 = arith.constant 0 : i32
      %get3A_73 = arith.index_cast %get3A_72 : i32 to index
      %get3A_74 = arith.constant 64 : index
      %get3A_75 = tpu.vector_load %arg7[%get3A_73, %get3A_74] {strides = array<i32>} : memref<196x128xf32, #tpu.memory_space<vmem>>, vector<16xf32>,
      %get3A_76 = arith.constant 0 : i32
      %get3A_77 = arith.index_cast %get3A_76 : i32 to index
      %get3A_78 = arith.constant 80 : index
      %get3A_79 = tpu.vector_load %arg7[%get3A_77, %get3A_78] {strides = array<i32>} : memref<196x128xf32, #tpu.memory_space<vmem>>, vector<16xf32>,
      %get3A_80 = arith.constant 0 : i32
      %get3A_81 = arith.index_cast %get3A_80 : i32 to index
      %get3A_82 = arith.constant 96 : index
      %get3A_83 = tpu.vector_load %arg7[%get3A_81, %get3A_82] {strides = array<i32>} : memref<196x128xf32, #tpu.memory_space<vmem>>, vector<16xf32>,
      %get3A_84 = arith.constant 0 : i32
      %get3A_85 = arith.index_cast %get3A_84 : i32 to index
      %get3A_86 = arith.constant 112 : index
      %get3A_87 = tpu.vector_load %arg7[%get3A_85, %get3A_86] {strides = array<i32>} : memref<196x128xf32, #tpu.memory_space<vmem>>, vector<16xf32>,
      %broadcast_in_dim3A = arith.constant 0 : i32
      %broadcast_in_dim3A_88 = vector.broadcast %broadcast_in_dim3A : i32 to vector<16xi32>
      %broadcast_in_dim3A_89 = arith.constant 0 : i32
      %broadcast_in_dim3A_90 = vector.broadcast %broadcast_in_dim3A_89 : i32 to vector<16xi32>
      %broadcast_in_dim3A_91 = arith.constant 0 : i32
      %broadcast_in_dim3A_92 = vector.broadcast %broadcast_in_dim3A_91 : i32 to vector<16xi32>
      %broadcast_in_dim3A_93 = arith.constant 0 : i32
      %broadcast_in_dim3A_94 = vector.broadcast %broadcast_in_dim3A_93 : i32 to vector<16xi32>
      %broadcast_in_dim3A_95 = arith.constant 0 : i32
      %broadcast_in_dim3A_96 = vector.broadcast %broadcast_in_dim3A_95 : i32 to vector<16xi32>
      %broadcast_in_dim3A_97 = arith.constant 0 : i32
      %broadcast_in_dim3A_98 = vector.broadcast %broadcast_in_dim3A_97 : i32 to vector<16xi32>
      %broadcast_in_dim3A_99 = arith.constant 0 : i32
      %broadcast_in_dim3A_100 = vector.broadcast %broadcast_in_dim3A_99 : i32 to vector<16xi32>
      %broadcast_in_dim3A_101 = arith.constant 0 : i32
      %broadcast_in_dim3A_102 = vector.broadcast %broadcast_in_dim3A_101 : i32 to vector<16xi32>
      %scan3A_103 = arith.constant 1 : i32
      %scan3A_104 = arith.constant 195 : i32
      %scan3A_105 = arith.addi %scan3A_103, %scan3A_104 : i32
      %scan3A_106 = arith.constant 1 : i32
      %scan3A_107:16 = scf.for %scan3A_211 = %scan3A_103 to %scan3A_105 step %scan3A_106 iter_args(%scan3A_212 = %get3A_59, %scan3A_213 = %get3A_63, %scan3A_214 = %get3A_67, %scan3A_215 = %get3A_71, %scan3A_216 = %get3A_75, %scan3A_217 = %get3A_79, %scan3A_218 = %get3A_83, %scan3A_219 = %get3A_87, %scan3A_220 = %broadcast_in_dim3A_88, %scan3A_221 = %broadcast_in_dim3A_90, %scan3A_222 = %broadcast_in_dim3A_92, %scan3A_223 = %broadcast_in_dim3A_94, %scan3A_224 = %broadcast_in_dim3A_96, %scan3A_225 = %broadcast_in_dim3A_98, %scan3A_226 = %broadcast_in_dim3A_100, %scan3A_227 = %broadcast_in_dim3A_102) -> (vector<16xf32>, vector<16xf32>, vector<16xf32>, vector<16xf32>, vector<16xf32>, vector<16xf32>, vector<16xf32>, vector<16xf32>, vector<16xi32>, vector<16xi32>, vector<16xi32>, vector<16xi32>, vector<16xi32>, vector<16xi32>, vector<16xi32>, vector<16xi32>)  : i32 {
        %get3A_228 = arith.index_cast %scan3A_211 : i32 to index
        %get3A_229 = arith.constant 0 : index
        %get3A_230 = tpu.vector_load %arg7[%get3A_228, %get3A_229] {strides = array<i32>} : memref<196x128xf32, #tpu.memory_space<vmem>>, vector<16xf32>,
        %gt3A = arith.cmpf ogt, %get3A_230, %scan3A_212 : vector<16xf32>
        %broadcast_in_dim3A_231 = vector.broadcast %scan3A_211 : i32 to vector<16xi32>
        %select_n3A_232 = arith.select %gt3A, %get3A_230, %scan3A_212 : vector<16xi1>, vector<16xf32>
        %select_n3A_233 = arith.select %gt3A, %broadcast_in_dim3A_231, %scan3A_220 : vector<16xi1>, vector<16xi32>
        %get3A_234 = arith.index_cast %scan3A_211 : i32 to index
        %get3A_235 = arith.constant 16 : index
        %get3A_236 = tpu.vector_load %arg7[%get3A_234, %get3A_235] {strides = array<i32>} : memref<196x128xf32, #tpu.memory_space<vmem>>, vector<16xf32>,
        %gt3A_237 = arith.cmpf ogt, %get3A_236, %scan3A_213 : vector<16xf32>
        %broadcast_in_dim3A_238 = vector.broadcast %scan3A_211 : i32 to vector<16xi32>
        %select_n3A_239 = arith.select %gt3A_237, %get3A_236, %scan3A_213 : vector<16xi1>, vector<16xf32>
        %select_n3A_240 = arith.select %gt3A_237, %broadcast_in_dim3A_238, %scan3A_221 : vector<16xi1>, vector<16xi32>
        %get3A_241 = arith.index_cast %scan3A_211 : i32 to index
        %get3A_242 = arith.constant 32 : index
        %get3A_243 = tpu.vector_load %arg7[%get3A_241, %get3A_242] {strides = array<i32>} : memref<196x128xf32, #tpu.memory_space<vmem>>, vector<16xf32>,
        %gt3A_244 = arith.cmpf ogt, %get3A_243, %scan3A_214 : vector<16xf32>
        %broadcast_in_dim3A_245 = vector.broadcast %scan3A_211 : i32 to vector<16xi32>
        %select_n3A_246 = arith.select %gt3A_244, %get3A_243, %scan3A_214 : vector<16xi1>, vector<16xf32>
        %select_n3A_247 = arith.select %gt3A_244, %broadcast_in_dim3A_245, %scan3A_222 : vector<16xi1>, vector<16xi32>
        %get3A_248 = arith.index_cast %scan3A_211 : i32 to index
        %get3A_249 = arith.constant 48 : index
        %get3A_250 = tpu.vector_load %arg7[%get3A_248, %get3A_249] {strides = array<i32>} : memref<196x128xf32, #tpu.memory_space<vmem>>, vector<16xf32>,
        %gt3A_251 = arith.cmpf ogt, %get3A_250, %scan3A_215 : vector<16xf32>
        %broadcast_in_dim3A_252 = vector.broadcast %scan3A_211 : i32 to vector<16xi32>
        %select_n3A_253 = arith.select %gt3A_251, %get3A_250, %scan3A_215 : vector<16xi1>, vector<16xf32>
        %select_n3A_254 = arith.select %gt3A_251, %broadcast_in_dim3A_252, %scan3A_223 : vector<16xi1>, vector<16xi32>
        %get3A_255 = arith.index_cast %scan3A_211 : i32 to index
        %get3A_256 = arith.constant 64 : index
        %get3A_257 = tpu.vector_load %arg7[%get3A_255, %get3A_256] {strides = array<i32>} : memref<196x128xf32, #tpu.memory_space<vmem>>, vector<16xf32>,
        %gt3A_258 = arith.cmpf ogt, %get3A_257, %scan3A_216 : vector<16xf32>
        %broadcast_in_dim3A_259 = vector.broadcast %scan3A_211 : i32 to vector<16xi32>
        %select_n3A_260 = arith.select %gt3A_258, %get3A_257, %scan3A_216 : vector<16xi1>, vector<16xf32>
        %select_n3A_261 = arith.select %gt3A_258, %broadcast_in_dim3A_259, %scan3A_224 : vector<16xi1>, vector<16xi32>
        %get3A_262 = arith.index_cast %scan3A_211 : i32 to index
        %get3A_263 = arith.constant 80 : index
        %get3A_264 = tpu.vector_load %arg7[%get3A_262, %get3A_263] {strides = array<i32>} : memref<196x128xf32, #tpu.memory_space<vmem>>, vector<16xf32>,
        %gt3A_265 = arith.cmpf ogt, %get3A_264, %scan3A_217 : vector<16xf32>
        %broadcast_in_dim3A_266 = vector.broadcast %scan3A_211 : i32 to vector<16xi32>
        %select_n3A_267 = arith.select %gt3A_265, %get3A_264, %scan3A_217 : vector<16xi1>, vector<16xf32>
        %select_n3A_268 = arith.select %gt3A_265, %broadcast_in_dim3A_266, %scan3A_225 : vector<16xi1>, vector<16xi32>
        %get3A_269 = arith.index_cast %scan3A_211 : i32 to index
        %get3A_270 = arith.constant 96 : index
        %get3A_271 = tpu.vector_load %arg7[%get3A_269, %get3A_270] {strides = array<i32>} : memref<196x128xf32, #tpu.memory_space<vmem>>, vector<16xf32>,
        %gt3A_272 = arith.cmpf ogt, %get3A_271, %scan3A_218 : vector<16xf32>
        %broadcast_in_dim3A_273 = vector.broadcast %scan3A_211 : i32 to vector<16xi32>
        %select_n3A_274 = arith.select %gt3A_272, %get3A_271, %scan3A_218 : vector<16xi1>, vector<16xf32>
        %select_n3A_275 = arith.select %gt3A_272, %broadcast_in_dim3A_273, %scan3A_226 : vector<16xi1>, vector<16xi32>
        %get3A_276 = arith.index_cast %scan3A_211 : i32 to index
        %get3A_277 = arith.constant 112 : index
        %get3A_278 = tpu.vector_load %arg7[%get3A_276, %get3A_277] {strides = array<i32>} : memref<196x128xf32, #tpu.memory_space<vmem>>, vector<16xf32>,
        %gt3A_279 = arith.cmpf ogt, %get3A_278, %scan3A_219 : vector<16xf32>
        %broadcast_in_dim3A_280 = vector.broadcast %scan3A_211 : i32 to vector<16xi32>
        %select_n3A_281 = arith.select %gt3A_279, %get3A_278, %scan3A_219 : vector<16xi1>, vector<16xf32>
        %select_n3A_282 = arith.select %gt3A_279, %broadcast_in_dim3A_280, %scan3A_227 : vector<16xi1>, vector<16xi32>
        scf.yield %select_n3A_232, %select_n3A_239, %select_n3A_246, %select_n3A_253, %select_n3A_260, %select_n3A_267, %select_n3A_274, %select_n3A_281, %select_n3A_233, %select_n3A_240, %select_n3A_247, %select_n3A_254, %select_n3A_261, %select_n3A_268, %select_n3A_275, %select_n3A_282 : vector<16xf32>, vector<16xf32>, vector<16xf32>, vector<16xf32>, vector<16xf32>, vector<16xf32>, vector<16xf32>, vector<16xf32>, vector<16xi32>, vector<16xi32>, vector<16xi32>, vector<16xi32>, vector<16xi32>, vector<16xi32>, vector<16xi32>, vector<16xi32>
      }
      %scan3A_108 = arith.constant 195 : i32
      %eq3A_109 = arith.constant 0.000000e+00 : f32
      %eq3A_110 = vector.broadcast %eq3A_109 : f32 to vector<16xf32>
      %eq3A_111 = arith.cmpf oeq, %scan3A_107#0, %eq3A_110 : vector<16xf32>
      %jit3A_112 = arith.constant 195 : i32
      %broadcast_in_dim3A_113 = vector.broadcast %jit3A_112 : i32 to vector<16xi32>
      %select_n3A_114 = arith.select %eq3A_111, %broadcast_in_dim3A_113, %scan3A_107#8 : vector<16xi1>, vector<16xi32>
      %mul3A_115 = arith.constant 196 : i32
      %mul3A_116 = vector.broadcast %mul3A_115 : i32 to vector<16xi32>
      %mul3A_117 = arith.muli %select_n3A_114, %mul3A_116 : vector<16xi32>
      %eq3A_118 = arith.constant 0.000000e+00 : f32
      %eq3A_119 = vector.broadcast %eq3A_118 : f32 to vector<16xf32>
      %eq3A_120 = arith.cmpf oeq, %scan3A_107#1, %eq3A_119 : vector<16xf32>
      %jit3A_121 = arith.constant 195 : i32
      %broadcast_in_dim3A_122 = vector.broadcast %jit3A_121 : i32 to vector<16xi32>
      %select_n3A_123 = arith.select %eq3A_120, %broadcast_in_dim3A_122, %scan3A_107#9 : vector<16xi1>, vector<16xi32>
      %mul3A_124 = arith.constant 196 : i32
      %mul3A_125 = vector.broadcast %mul3A_124 : i32 to vector<16xi32>
      %mul3A_126 = arith.muli %select_n3A_123, %mul3A_125 : vector<16xi32>
      %eq3A_127 = arith.constant 0.000000e+00 : f32
      %eq3A_128 = vector.broadcast %eq3A_127 : f32 to vector<16xf32>
      %eq3A_129 = arith.cmpf oeq, %scan3A_107#2, %eq3A_128 : vector<16xf32>
      %jit3A_130 = arith.constant 195 : i32
      %broadcast_in_dim3A_131 = vector.broadcast %jit3A_130 : i32 to vector<16xi32>
      %select_n3A_132 = arith.select %eq3A_129, %broadcast_in_dim3A_131, %scan3A_107#10 : vector<16xi1>, vector<16xi32>
      %mul3A_133 = arith.constant 196 : i32
      %mul3A_134 = vector.broadcast %mul3A_133 : i32 to vector<16xi32>
      %mul3A_135 = arith.muli %select_n3A_132, %mul3A_134 : vector<16xi32>
      %eq3A_136 = arith.constant 0.000000e+00 : f32
      %eq3A_137 = vector.broadcast %eq3A_136 : f32 to vector<16xf32>
      %eq3A_138 = arith.cmpf oeq, %scan3A_107#3, %eq3A_137 : vector<16xf32>
      %jit3A_139 = arith.constant 195 : i32
      %broadcast_in_dim3A_140 = vector.broadcast %jit3A_139 : i32 to vector<16xi32>
      %select_n3A_141 = arith.select %eq3A_138, %broadcast_in_dim3A_140, %scan3A_107#11 : vector<16xi1>, vector<16xi32>
      %mul3A_142 = arith.constant 196 : i32
      %mul3A_143 = vector.broadcast %mul3A_142 : i32 to vector<16xi32>
      %mul3A_144 = arith.muli %select_n3A_141, %mul3A_143 : vector<16xi32>
      %eq3A_145 = arith.constant 0.000000e+00 : f32
      %eq3A_146 = vector.broadcast %eq3A_145 : f32 to vector<16xf32>
      %eq3A_147 = arith.cmpf oeq, %scan3A_107#4, %eq3A_146 : vector<16xf32>
      %jit3A_148 = arith.constant 195 : i32
      %broadcast_in_dim3A_149 = vector.broadcast %jit3A_148 : i32 to vector<16xi32>
      %select_n3A_150 = arith.select %eq3A_147, %broadcast_in_dim3A_149, %scan3A_107#12 : vector<16xi1>, vector<16xi32>
      %mul3A_151 = arith.constant 196 : i32
      %mul3A_152 = vector.broadcast %mul3A_151 : i32 to vector<16xi32>
      %mul3A_153 = arith.muli %select_n3A_150, %mul3A_152 : vector<16xi32>
      %eq3A_154 = arith.constant 0.000000e+00 : f32
      %eq3A_155 = vector.broadcast %eq3A_154 : f32 to vector<16xf32>
      %eq3A_156 = arith.cmpf oeq, %scan3A_107#5, %eq3A_155 : vector<16xf32>
      %jit3A_157 = arith.constant 195 : i32
      %broadcast_in_dim3A_158 = vector.broadcast %jit3A_157 : i32 to vector<16xi32>
      %select_n3A_159 = arith.select %eq3A_156, %broadcast_in_dim3A_158, %scan3A_107#13 : vector<16xi1>, vector<16xi32>
      %mul3A_160 = arith.constant 196 : i32
      %mul3A_161 = vector.broadcast %mul3A_160 : i32 to vector<16xi32>
      %mul3A_162 = arith.muli %select_n3A_159, %mul3A_161 : vector<16xi32>
      %eq3A_163 = arith.constant 0.000000e+00 : f32
      %eq3A_164 = vector.broadcast %eq3A_163 : f32 to vector<16xf32>
      %eq3A_165 = arith.cmpf oeq, %scan3A_107#6, %eq3A_164 : vector<16xf32>
      %jit3A_166 = arith.constant 195 : i32
      %broadcast_in_dim3A_167 = vector.broadcast %jit3A_166 : i32 to vector<16xi32>
      %select_n3A_168 = arith.select %eq3A_165, %broadcast_in_dim3A_167, %scan3A_107#14 : vector<16xi1>, vector<16xi32>
      %mul3A_169 = arith.constant 196 : i32
      %mul3A_170 = vector.broadcast %mul3A_169 : i32 to vector<16xi32>
      %mul3A_171 = arith.muli %select_n3A_168, %mul3A_170 : vector<16xi32>
      %eq3A_172 = arith.constant 0.000000e+00 : f32
      %eq3A_173 = vector.broadcast %eq3A_172 : f32 to vector<16xf32>
      %eq3A_174 = arith.cmpf oeq, %scan3A_107#7, %eq3A_173 : vector<16xf32>
      %jit3A_175 = arith.constant 195 : i32
      %broadcast_in_dim3A_176 = vector.broadcast %jit3A_175 : i32 to vector<16xi32>
      %select_n3A_177 = arith.select %eq3A_174, %broadcast_in_dim3A_176, %scan3A_107#15 : vector<16xi1>, vector<16xi32>
      %mul3A_178 = arith.constant 196 : i32
      %mul3A_179 = vector.broadcast %mul3A_178 : i32 to vector<16xi32>
      %mul3A_180 = arith.muli %select_n3A_177, %mul3A_179 : vector<16xi32>
      %scan3A_181 = arith.constant 0 : i32
      %scan3A_182 = arith.constant 0 : i32
      %scan3A_183 = arith.constant 196 : i32
      %scan3A_184 = arith.addi %scan3A_182, %scan3A_183 : i32
      %scan3A_185 = arith.constant 1 : i32
      scf.for %scan3A_211 = %scan3A_182 to %scan3A_184 step %scan3A_185  : i32 {
        %add3A_212 = vector.broadcast %scan3A_211 : i32 to vector<16xi32>
        %add3A_213 = arith.addi %mul3A_117, %add3A_212 : vector<16xi32>
        %gather3A = tpu.vector_load_idx %arg6[%add3A_213] : memref<38416xf32, #tpu.memory_space<vmem>>[vector<16xi32>], vector<16xf32>,
        %get3A_214 = arith.index_cast %scan3A_211 : i32 to index
        %get3A_215 = arith.constant 0 : index
        %get3A_216 = tpu.vector_load %arg7[%get3A_214, %get3A_215] {strides = array<i32>} : memref<196x128xf32, #tpu.memory_space<vmem>>, vector<16xf32>,
        %swap3A = arith.index_cast %scan3A_211 : i32 to index
        %swap3A_217 = arith.constant 0 : index
        %swap3A_218 = tpu.vector_load %arg8[%swap3A, %swap3A_217] {strides = array<i32>} : memref<196x128xf32, #tpu.memory_space<vmem>>, vector<16xf32>,
        tpu.vector_store %arg8[%swap3A, %swap3A_217], %gather3A {strides = array<i32>} : memref<196x128xf32, #tpu.memory_space<vmem>>, vector<16xf32>,
        %mul3A_219 = arith.mulf %get3A_216, %gather3A : vector<16xf32>
        %max3A = arith.constant 0.000000e+00 : f32
        %max3A_220 = vector.broadcast %max3A : f32 to vector<16xf32>
        %max3A_221 = arith.maximumf %mul3A_219, %max3A_220 : vector<16xf32>
        %swap3A_222 = arith.index_cast %scan3A_211 : i32 to index
        %swap3A_223 = arith.constant 0 : index
        %swap3A_224 = tpu.vector_load %arg9[%swap3A_222, %swap3A_223] {strides = array<i32>} : memref<196x128xf32, #tpu.memory_space<vmem>>, vector<16xf32>,
        tpu.vector_store %arg9[%swap3A_222, %swap3A_223], %max3A_221 {strides = array<i32>} : memref<196x128xf32, #tpu.memory_space<vmem>>, vector<16xf32>,
        %add3A_225 = vector.broadcast %scan3A_211 : i32 to vector<16xi32>
        %add3A_226 = arith.addi %mul3A_126, %add3A_225 : vector<16xi32>
        %gather3A_227 = tpu.vector_load_idx %arg6[%add3A_226] : memref<38416xf32, #tpu.memory_space<vmem>>[vector<16xi32>], vector<16xf32>,
        %get3A_228 = arith.index_cast %scan3A_211 : i32 to index
        %get3A_229 = arith.constant 16 : index
        %get3A_230 = tpu.vector_load %arg7[%get3A_228, %get3A_229] {strides = array<i32>} : memref<196x128xf32, #tpu.memory_space<vmem>>, vector<16xf32>,
        %swap3A_231 = arith.index_cast %scan3A_211 : i32 to index
        %swap3A_232 = arith.constant 16 : index
        %swap3A_233 = tpu.vector_load %arg8[%swap3A_231, %swap3A_232] {strides = array<i32>} : memref<196x128xf32, #tpu.memory_space<vmem>>, vector<16xf32>,
        tpu.vector_store %arg8[%swap3A_231, %swap3A_232], %gather3A_227 {strides = array<i32>} : memref<196x128xf32, #tpu.memory_space<vmem>>, vector<16xf32>,
        %mul3A_234 = arith.mulf %get3A_230, %gather3A_227 : vector<16xf32>
        %max3A_235 = arith.constant 0.000000e+00 : f32
        %max3A_236 = vector.broadcast %max3A_235 : f32 to vector<16xf32>
        %max3A_237 = arith.maximumf %mul3A_234, %max3A_236 : vector<16xf32>
        %swap3A_238 = arith.index_cast %scan3A_211 : i32 to index
        %swap3A_239 = arith.constant 16 : index
        %swap3A_240 = tpu.vector_load %arg9[%swap3A_238, %swap3A_239] {strides = array<i32>} : memref<196x128xf32, #tpu.memory_space<vmem>>, vector<16xf32>,
        tpu.vector_store %arg9[%swap3A_238, %swap3A_239], %max3A_237 {strides = array<i32>} : memref<196x128xf32, #tpu.memory_space<vmem>>, vector<16xf32>,
        %add3A_241 = vector.broadcast %scan3A_211 : i32 to vector<16xi32>
        %add3A_242 = arith.addi %mul3A_135, %add3A_241 : vector<16xi32>
        %gather3A_243 = tpu.vector_load_idx %arg6[%add3A_242] : memref<38416xf32, #tpu.memory_space<vmem>>[vector<16xi32>], vector<16xf32>,
        %get3A_244 = arith.index_cast %scan3A_211 : i32 to index
        %get3A_245 = arith.constant 32 : index
        %get3A_246 = tpu.vector_load %arg7[%get3A_244, %get3A_245] {strides = array<i32>} : memref<196x128xf32, #tpu.memory_space<vmem>>, vector<16xf32>,
        %swap3A_247 = arith.index_cast %scan3A_211 : i32 to index
        %swap3A_248 = arith.constant 32 : index
        %swap3A_249 = tpu.vector_load %arg8[%swap3A_247, %swap3A_248] {strides = array<i32>} : memref<196x128xf32, #tpu.memory_space<vmem>>, vector<16xf32>,
        tpu.vector_store %arg8[%swap3A_247, %swap3A_248], %gather3A_243 {strides = array<i32>} : memref<196x128xf32, #tpu.memory_space<vmem>>, vector<16xf32>,
        %mul3A_250 = arith.mulf %get3A_246, %gather3A_243 : vector<16xf32>
        %max3A_251 = arith.constant 0.000000e+00 : f32
        %max3A_252 = vector.broadcast %max3A_251 : f32 to vector<16xf32>
        %max3A_253 = arith.maximumf %mul3A_250, %max3A_252 : vector<16xf32>
        %swap3A_254 = arith.index_cast %scan3A_211 : i32 to index
        %swap3A_255 = arith.constant 32 : index
        %swap3A_256 = tpu.vector_load %arg9[%swap3A_254, %swap3A_255] {strides = array<i32>} : memref<196x128xf32, #tpu.memory_space<vmem>>, vector<16xf32>,
        tpu.vector_store %arg9[%swap3A_254, %swap3A_255], %max3A_253 {strides = array<i32>} : memref<196x128xf32, #tpu.memory_space<vmem>>, vector<16xf32>,
        %add3A_257 = vector.broadcast %scan3A_211 : i32 to vector<16xi32>
        %add3A_258 = arith.addi %mul3A_144, %add3A_257 : vector<16xi32>
        %gather3A_259 = tpu.vector_load_idx %arg6[%add3A_258] : memref<38416xf32, #tpu.memory_space<vmem>>[vector<16xi32>], vector<16xf32>,
        %get3A_260 = arith.index_cast %scan3A_211 : i32 to index
        %get3A_261 = arith.constant 48 : index
        %get3A_262 = tpu.vector_load %arg7[%get3A_260, %get3A_261] {strides = array<i32>} : memref<196x128xf32, #tpu.memory_space<vmem>>, vector<16xf32>,
        %swap3A_263 = arith.index_cast %scan3A_211 : i32 to index
        %swap3A_264 = arith.constant 48 : index
        %swap3A_265 = tpu.vector_load %arg8[%swap3A_263, %swap3A_264] {strides = array<i32>} : memref<196x128xf32, #tpu.memory_space<vmem>>, vector<16xf32>,
        tpu.vector_store %arg8[%swap3A_263, %swap3A_264], %gather3A_259 {strides = array<i32>} : memref<196x128xf32, #tpu.memory_space<vmem>>, vector<16xf32>,
        %mul3A_266 = arith.mulf %get3A_262, %gather3A_259 : vector<16xf32>
        %max3A_267 = arith.constant 0.000000e+00 : f32
        %max3A_268 = vector.broadcast %max3A_267 : f32 to vector<16xf32>
        %max3A_269 = arith.maximumf %mul3A_266, %max3A_268 : vector<16xf32>
        %swap3A_270 = arith.index_cast %scan3A_211 : i32 to index
        %swap3A_271 = arith.constant 48 : index
        %swap3A_272 = tpu.vector_load %arg9[%swap3A_270, %swap3A_271] {strides = array<i32>} : memref<196x128xf32, #tpu.memory_space<vmem>>, vector<16xf32>,
        tpu.vector_store %arg9[%swap3A_270, %swap3A_271], %max3A_269 {strides = array<i32>} : memref<196x128xf32, #tpu.memory_space<vmem>>, vector<16xf32>,
        %add3A_273 = vector.broadcast %scan3A_211 : i32 to vector<16xi32>
        %add3A_274 = arith.addi %mul3A_153, %add3A_273 : vector<16xi32>
        %gather3A_275 = tpu.vector_load_idx %arg6[%add3A_274] : memref<38416xf32, #tpu.memory_space<vmem>>[vector<16xi32>], vector<16xf32>,
        %get3A_276 = arith.index_cast %scan3A_211 : i32 to index
        %get3A_277 = arith.constant 64 : index
        %get3A_278 = tpu.vector_load %arg7[%get3A_276, %get3A_277] {strides = array<i32>} : memref<196x128xf32, #tpu.memory_space<vmem>>, vector<16xf32>,
        %swap3A_279 = arith.index_cast %scan3A_211 : i32 to index
        %swap3A_280 = arith.constant 64 : index
        %swap3A_281 = tpu.vector_load %arg8[%swap3A_279, %swap3A_280] {strides = array<i32>} : memref<196x128xf32, #tpu.memory_space<vmem>>, vector<16xf32>,
        tpu.vector_store %arg8[%swap3A_279, %swap3A_280], %gather3A_275 {strides = array<i32>} : memref<196x128xf32, #tpu.memory_space<vmem>>, vector<16xf32>,
        %mul3A_282 = arith.mulf %get3A_278, %gather3A_275 : vector<16xf32>
        %max3A_283 = arith.constant 0.000000e+00 : f32
        %max3A_284 = vector.broadcast %max3A_283 : f32 to vector<16xf32>
        %max3A_285 = arith.maximumf %mul3A_282, %max3A_284 : vector<16xf32>
        %swap3A_286 = arith.index_cast %scan3A_211 : i32 to index
        %swap3A_287 = arith.constant 64 : index
        %swap3A_288 = tpu.vector_load %arg9[%swap3A_286, %swap3A_287] {strides = array<i32>} : memref<196x128xf32, #tpu.memory_space<vmem>>, vector<16xf32>,
        tpu.vector_store %arg9[%swap3A_286, %swap3A_287], %max3A_285 {strides = array<i32>} : memref<196x128xf32, #tpu.memory_space<vmem>>, vector<16xf32>,
        %add3A_289 = vector.broadcast %scan3A_211 : i32 to vector<16xi32>
        %add3A_290 = arith.addi %mul3A_162, %add3A_289 : vector<16xi32>
        %gather3A_291 = tpu.vector_load_idx %arg6[%add3A_290] : memref<38416xf32, #tpu.memory_space<vmem>>[vector<16xi32>], vector<16xf32>,
        %get3A_292 = arith.index_cast %scan3A_211 : i32 to index
        %get3A_293 = arith.constant 80 : index
        %get3A_294 = tpu.vector_load %arg7[%get3A_292, %get3A_293] {strides = array<i32>} : memref<196x128xf32, #tpu.memory_space<vmem>>, vector<16xf32>,
        %swap3A_295 = arith.index_cast %scan3A_211 : i32 to index
        %swap3A_296 = arith.constant 80 : index
        %swap3A_297 = tpu.vector_load %arg8[%swap3A_295, %swap3A_296] {strides = array<i32>} : memref<196x128xf32, #tpu.memory_space<vmem>>, vector<16xf32>,
        tpu.vector_store %arg8[%swap3A_295, %swap3A_296], %gather3A_291 {strides = array<i32>} : memref<196x128xf32, #tpu.memory_space<vmem>>, vector<16xf32>,
        %mul3A_298 = arith.mulf %get3A_294, %gather3A_291 : vector<16xf32>
        %max3A_299 = arith.constant 0.000000e+00 : f32
        %max3A_300 = vector.broadcast %max3A_299 : f32 to vector<16xf32>
        %max3A_301 = arith.maximumf %mul3A_298, %max3A_300 : vector<16xf32>
        %swap3A_302 = arith.index_cast %scan3A_211 : i32 to index
        %swap3A_303 = arith.constant 80 : index
        %swap3A_304 = tpu.vector_load %arg9[%swap3A_302, %swap3A_303] {strides = array<i32>} : memref<196x128xf32, #tpu.memory_space<vmem>>, vector<16xf32>,
        tpu.vector_store %arg9[%swap3A_302, %swap3A_303], %max3A_301 {strides = array<i32>} : memref<196x128xf32, #tpu.memory_space<vmem>>, vector<16xf32>,
        %add3A_305 = vector.broadcast %scan3A_211 : i32 to vector<16xi32>
        %add3A_306 = arith.addi %mul3A_171, %add3A_305 : vector<16xi32>
        %gather3A_307 = tpu.vector_load_idx %arg6[%add3A_306] : memref<38416xf32, #tpu.memory_space<vmem>>[vector<16xi32>], vector<16xf32>,
        %get3A_308 = arith.index_cast %scan3A_211 : i32 to index
        %get3A_309 = arith.constant 96 : index
        %get3A_310 = tpu.vector_load %arg7[%get3A_308, %get3A_309] {strides = array<i32>} : memref<196x128xf32, #tpu.memory_space<vmem>>, vector<16xf32>,
        %swap3A_311 = arith.index_cast %scan3A_211 : i32 to index
        %swap3A_312 = arith.constant 96 : index
        %swap3A_313 = tpu.vector_load %arg8[%swap3A_311, %swap3A_312] {strides = array<i32>} : memref<196x128xf32, #tpu.memory_space<vmem>>, vector<16xf32>,
        tpu.vector_store %arg8[%swap3A_311, %swap3A_312], %gather3A_307 {strides = array<i32>} : memref<196x128xf32, #tpu.memory_space<vmem>>, vector<16xf32>,
        %mul3A_314 = arith.mulf %get3A_310, %gather3A_307 : vector<16xf32>
        %max3A_315 = arith.constant 0.000000e+00 : f32
        %max3A_316 = vector.broadcast %max3A_315 : f32 to vector<16xf32>
        %max3A_317 = arith.maximumf %mul3A_314, %max3A_316 : vector<16xf32>
        %swap3A_318 = arith.index_cast %scan3A_211 : i32 to index
        %swap3A_319 = arith.constant 96 : index
        %swap3A_320 = tpu.vector_load %arg9[%swap3A_318, %swap3A_319] {strides = array<i32>} : memref<196x128xf32, #tpu.memory_space<vmem>>, vector<16xf32>,
        tpu.vector_store %arg9[%swap3A_318, %swap3A_319], %max3A_317 {strides = array<i32>} : memref<196x128xf32, #tpu.memory_space<vmem>>, vector<16xf32>,
        %add3A_321 = vector.broadcast %scan3A_211 : i32 to vector<16xi32>
        %add3A_322 = arith.addi %mul3A_180, %add3A_321 : vector<16xi32>
        %gather3A_323 = tpu.vector_load_idx %arg6[%add3A_322] : memref<38416xf32, #tpu.memory_space<vmem>>[vector<16xi32>], vector<16xf32>,
        %get3A_324 = arith.index_cast %scan3A_211 : i32 to index
        %get3A_325 = arith.constant 112 : index
        %get3A_326 = tpu.vector_load %arg7[%get3A_324, %get3A_325] {strides = array<i32>} : memref<196x128xf32, #tpu.memory_space<vmem>>, vector<16xf32>,
        %swap3A_327 = arith.index_cast %scan3A_211 : i32 to index
        %swap3A_328 = arith.constant 112 : index
        %swap3A_329 = tpu.vector_load %arg8[%swap3A_327, %swap3A_328] {strides = array<i32>} : memref<196x128xf32, #tpu.memory_space<vmem>>, vector<16xf32>,
        tpu.vector_store %arg8[%swap3A_327, %swap3A_328], %gather3A_323 {strides = array<i32>} : memref<196x128xf32, #tpu.memory_space<vmem>>, vector<16xf32>,
        %mul3A_330 = arith.mulf %get3A_326, %gather3A_323 : vector<16xf32>
        %max3A_331 = arith.constant 0.000000e+00 : f32
        %max3A_332 = vector.broadcast %max3A_331 : f32 to vector<16xf32>
        %max3A_333 = arith.maximumf %mul3A_330, %max3A_332 : vector<16xf32>
        %swap3A_334 = arith.index_cast %scan3A_211 : i32 to index
        %swap3A_335 = arith.constant 112 : index
        %swap3A_336 = tpu.vector_load %arg9[%swap3A_334, %swap3A_335] {strides = array<i32>} : memref<196x128xf32, #tpu.memory_space<vmem>>, vector<16xf32>,
        tpu.vector_store %arg9[%swap3A_334, %swap3A_335], %max3A_333 {strides = array<i32>} : memref<196x128xf32, #tpu.memory_space<vmem>>, vector<16xf32>,
      }
      %scan3A_186 = arith.constant 196 : i32
      %dma_start3A_187 = arith.constant 0 : i32
      %dma_start3A_188 = tpu.memref_slice %arg5[%select_n3A, %dma_start3A_187, %mul3A_46] : memref<32x196x768xf32, #tpu.memory_space<hbm>> -> memref<1x196x128xf32, #tpu.memory_space<hbm>>
      %dma_start3A_189 = tpu.memref_squeeze %dma_start3A_188 : memref<1x196x128xf32, #tpu.memory_space<hbm>> -> memref<196x128xf32, #tpu.memory_space<hbm>>
      %dma_start3A_190 = arith.constant 0 : i32
      %dma_start3A_191 = tpu.memref_slice %arg5[%select_n3A, %dma_start3A_190, %mul3A_46] : memref<32x196x768xf32, #tpu.memory_space<hbm>> -> memref<1x196x128xf32, #tpu.memory_space<hbm>>
      %dma_start3A_192 = tpu.memref_squeeze %dma_start3A_191 : memref<1x196x128xf32, #tpu.memory_space<hbm>> -> memref<196x128xf32, #tpu.memory_space<hbm>>
      tpu.enqueue_dma source(%arg8 : memref<196x128xf32, #tpu.memory_space<vmem>>) target(%dma_start3A_192 : memref<196x128xf32, #tpu.memory_space<hbm>>) target_semaphore(%arg10 : memref<!tpu.dma_semaphore, #tpu.memory_space<semaphore_mem>>)
      %dma_wait3A_193 = arith.constant 0 : i32
      %dma_wait3A_194 = tpu.memref_slice %arg5[%select_n3A, %dma_wait3A_193, %mul3A_46] : memref<32x196x768xf32, #tpu.memory_space<hbm>> -> memref<1x196x128xf32, #tpu.memory_space<hbm>>
      %dma_wait3A_195 = tpu.memref_squeeze %dma_wait3A_194 : memref<1x196x128xf32, #tpu.memory_space<hbm>> -> memref<196x128xf32, #tpu.memory_space<hbm>>
      %dma_wait3A_196 = arith.constant 0 : i32
      %dma_wait3A_197 = tpu.memref_slice %arg5[%select_n3A, %dma_wait3A_196, %mul3A_46] : memref<32x196x768xf32, #tpu.memory_space<hbm>> -> memref<1x196x128xf32, #tpu.memory_space<hbm>>
      %dma_wait3A_198 = tpu.memref_squeeze %dma_wait3A_197 : memref<1x196x128xf32, #tpu.memory_space<hbm>> -> memref<196x128xf32, #tpu.memory_space<hbm>>
      tpu.wait_dma2 semaphore(%arg10 : memref<!tpu.dma_semaphore, #tpu.memory_space<semaphore_mem>>) src(%arg8 : memref<196x128xf32, #tpu.memory_space<vmem>>) dst(%dma_wait3A_198 : memref<196x128xf32, #tpu.memory_space<hbm>>)
      %dma_start3A_199 = arith.constant 0 : i32
      %dma_start3A_200 = tpu.memref_slice %arg4[%select_n3A, %dma_start3A_199, %mul3A_46] : memref<32x196x768xf32, #tpu.memory_space<hbm>> -> memref<1x196x128xf32, #tpu.memory_space<hbm>>
      %dma_start3A_201 = tpu.memref_squeeze %dma_start3A_200 : memref<1x196x128xf32, #tpu.memory_space<hbm>> -> memref<196x128xf32, #tpu.memory_space<hbm>>
      %dma_start3A_202 = arith.constant 0 : i32
      %dma_start3A_203 = tpu.memref_slice %arg4[%select_n3A, %dma_start3A_202, %mul3A_46] : memref<32x196x768xf32, #tpu.memory_space<hbm>> -> memref<1x196x128xf32, #tpu.memory_space<hbm>>
      %dma_start3A_204 = tpu.memref_squeeze %dma_start3A_203 : memref<1x196x128xf32, #tpu.memory_space<hbm>> -> memref<196x128xf32, #tpu.memory_space<hbm>>
      tpu.enqueue_dma source(%arg9 : memref<196x128xf32, #tpu.memory_space<vmem>>) target(%dma_start3A_204 : memref<196x128xf32, #tpu.memory_space<hbm>>) target_semaphore(%arg10 : memref<!tpu.dma_semaphore, #tpu.memory_space<semaphore_mem>>)
      %dma_wait3A_205 = arith.constant 0 : i32
      %dma_wait3A_206 = tpu.memref_slice %arg4[%select_n3A, %dma_wait3A_205, %mul3A_46] : memref<32x196x768xf32, #tpu.memory_space<hbm>> -> memref<1x196x128xf32, #tpu.memory_space<hbm>>
      %dma_wait3A_207 = tpu.memref_squeeze %dma_wait3A_206 : memref<1x196x128xf32, #tpu.memory_space<hbm>> -> memref<196x128xf32, #tpu.memory_space<hbm>>
      %dma_wait3A_208 = arith.constant 0 : i32
      %dma_wait3A_209 = tpu.memref_slice %arg4[%select_n3A, %dma_wait3A_208, %mul3A_46] : memref<32x196x768xf32, #tpu.memory_space<hbm>> -> memref<1x196x128xf32, #tpu.memory_space<hbm>>
      %dma_wait3A_210 = tpu.memref_squeeze %dma_wait3A_209 : memref<1x196x128xf32, #tpu.memory_space<hbm>> -> memref<196x128xf32, #tpu.memory_space<hbm>>
      tpu.wait_dma2 semaphore(%arg10 : memref<!tpu.dma_semaphore, #tpu.memory_space<semaphore_mem>>) src(%arg9 : memref<196x128xf32, #tpu.memory_space<vmem>>) dst(%dma_wait3A_210 : memref<196x128xf32, #tpu.memory_space<hbm>>)
    }
    %scan3A_4 = arith.constant 6 : i32
    return
  }
}

module attributes {stable_mosaic.version = 14 : i64} {
  func.func @_tc_kernel_body(%arg0: i32, %arg1: memref<8x196x768xf32, #tpu.memory_space<vmem>>, %arg2: memref<196x196xf32, #tpu.memory_space<vmem>>, %arg3: memref<8x196x768xf32, #tpu.memory_space<vmem>>, %arg4: memref<8x196x768xf32, #tpu.memory_space<vmem>>) attributes {dimension_semantics = [#tpu.dimension_semantics<arbitrary>], iteration_bounds = array<i64: 12>, scalar_prefetch = 0 : i64, scratch_operands = 0 : i64, tpu.core_type = #tpu.core_type<tc>, window_params = [{transform_indices = @transform_0, window_bounds = array<i64: 8, 196, 768>}, {pipeline_mode = #tpu.pipeline_mode<synchronous>, transform_indices = @transform_1, window_bounds = array<i64: 196, 196>}, {transform_indices = @transform_2, window_bounds = array<i64: 8, 196, 768>}, {transform_indices = @transform_3, window_bounds = array<i64: 8, 196, 768>}]} {
    %get3A = arith.constant 0 : index
    %get3A_0 = arith.constant 0 : index
    %get3A_1 = vector.load %arg2[%get3A, %get3A_0] : memref<196x196xf32, #tpu.memory_space<vmem>>, vector<196x196xf32>
    %get3A_2 = arith.constant 0 : index
    %get3A_3 = arith.constant 0 : index
    %get3A_4 = arith.constant 0 : index
    %get3A_5 = vector.load %arg1[%get3A_2, %get3A_3, %get3A_4] : memref<8x196x768xf32, #tpu.memory_space<vmem>>, vector<1x196x768xf32>
    %get3A_6 = vector.shape_cast %get3A_5 : vector<1x196x768xf32> to vector<196x768xf32>
    %reduce_max3A = arith.constant dense<0xFF800000> : vector<768xf32>
    %reduce_max3A_7 = vector.multi_reduction <maximumf>, %get3A_6, %reduce_max3A [0] : vector<196x768xf32> to vector<768xf32>
    %iota3A = tpu.iota {dimensions = array<i32: 0>} : vector<196x768xi32>
    %broadcast_in_dim3A = vector.shape_cast %reduce_max3A_7 : vector<768xf32> to vector<1x768xf32>
    %eq3A = vector.broadcast %broadcast_in_dim3A : vector<1x768xf32> to vector<196x768xf32>
    %eq3A_8 = arith.cmpf oeq, %get3A_6, %eq3A : vector<196x768xf32>
    %jit3A = arith.constant 196 : i32
    %broadcast_in_dim3A_9 = vector.broadcast %jit3A : i32 to vector<196x768xi32>
    %select_n3A = arith.select %eq3A_8, %iota3A, %broadcast_in_dim3A_9 : vector<196x768xi1>, vector<196x768xi32>
    %reduce_min3A = arith.constant dense<2147483647> : vector<768xi32>
    %reduce_min3A_10 = vector.multi_reduction <minsi>, %select_n3A, %reduce_min3A [0] : vector<196x768xi32> to vector<768xi32>
    %eq3A_11 = arith.constant 0.000000e+00 : f32
    %eq3A_12 = vector.broadcast %eq3A_11 : f32 to vector<768xf32>
    %eq3A_13 = arith.cmpf oeq, %reduce_max3A_7, %eq3A_12 : vector<768xf32>
    %jit3A_14 = arith.constant 195 : i32
    %broadcast_in_dim3A_15 = vector.broadcast %jit3A_14 : i32 to vector<768xi32>
    %select_n3A_16 = arith.select %eq3A_13, %broadcast_in_dim3A_15, %reduce_min3A_10 : vector<768xi1>, vector<768xi32>
    %broadcast_in_dim3A_17 = vector.shape_cast %select_n3A_16 : vector<768xi32> to vector<1x768xi32>
    %eq3A_18 = vector.broadcast %broadcast_in_dim3A_17 : vector<1x768xi32> to vector<196x768xi32>
    %eq3A_19 = arith.cmpi eq, %iota3A, %eq3A_18 : vector<196x768xi32>
    %convert_element_type3A = arith.extui %eq3A_19 : vector<196x768xi1> to vector<196x768xi32>
    %convert_element_type3A_20 = arith.sitofp %convert_element_type3A : vector<196x768xi32> to vector<196x768xf32>
    %dot_general3A = arith.constant dense<0.000000e+00> : vector<196x768xf32>
    %dot_general3A_21 = tpu.matmul %get3A_1, %convert_element_type3A_20, %dot_general3A {dimension_numbers = #tpu.dot_dimension_numbers<[1], [0], [0], [1], [0, 0, 1, 1], [], []>, transpose_lhs_hint = false} : vector<196x196xf32>, vector<196x768xf32>, vector<196x768xf32> -> vector<196x768xf32>
    %swap3A = arith.constant 0 : index
    %swap3A_22 = arith.constant 0 : index
    %swap3A_23 = arith.constant 0 : index
    %swap3A_24 = vector.load %arg4[%swap3A, %swap3A_22, %swap3A_23] : memref<8x196x768xf32, #tpu.memory_space<vmem>>, vector<1x196x768xf32>
    %swap3A_25 = vector.shape_cast %swap3A_24 : vector<1x196x768xf32> to vector<196x768xf32>
    %swap3A_26 = vector.shape_cast %dot_general3A_21 : vector<196x768xf32> to vector<1x196x768xf32>
    tpu.vector_store %arg4[%swap3A, %swap3A_22, %swap3A_23], %swap3A_26 {strides = array<i32>} : memref<8x196x768xf32, #tpu.memory_space<vmem>>, vector<1x196x768xf32>,
    %mul3A = arith.mulf %get3A_6, %dot_general3A_21 : vector<196x768xf32>
    %max3A = arith.constant 0.000000e+00 : f32
    %max3A_27 = vector.broadcast %max3A : f32 to vector<196x768xf32>
    %max3A_28 = arith.maximumf %mul3A, %max3A_27 : vector<196x768xf32>
    %swap3A_29 = arith.constant 0 : index
    %swap3A_30 = arith.constant 0 : index
    %swap3A_31 = arith.constant 0 : index
    %swap3A_32 = vector.load %arg3[%swap3A_29, %swap3A_30, %swap3A_31] : memref<8x196x768xf32, #tpu.memory_space<vmem>>, vector<1x196x768xf32>
    %swap3A_33 = vector.shape_cast %swap3A_32 : vector<1x196x768xf32> to vector<196x768xf32>
    %swap3A_34 = vector.shape_cast %max3A_28 : vector<196x768xf32> to vector<1x196x768xf32>
    tpu.vector_store %arg3[%swap3A_29, %swap3A_30, %swap3A_31], %swap3A_34 {strides = array<i32>} : memref<8x196x768xf32, #tpu.memory_space<vmem>>, vector<1x196x768xf32>,
    %get3A_35 = arith.constant 1 : index
    %get3A_36 = arith.constant 0 : index
    %get3A_37 = arith.constant 0 : index
    %get3A_38 = vector.load %arg1[%get3A_35, %get3A_36, %get3A_37] : memref<8x196x768xf32, #tpu.memory_space<vmem>>, vector<1x196x768xf32>
    %get3A_39 = vector.shape_cast %get3A_38 : vector<1x196x768xf32> to vector<196x768xf32>
    %reduce_max3A_40 = arith.constant dense<0xFF800000> : vector<768xf32>
    %reduce_max3A_41 = vector.multi_reduction <maximumf>, %get3A_39, %reduce_max3A_40 [0] : vector<196x768xf32> to vector<768xf32>
    %iota3A_42 = tpu.iota {dimensions = array<i32: 0>} : vector<196x768xi32>
    %broadcast_in_dim3A_43 = vector.shape_cast %reduce_max3A_41 : vector<768xf32> to vector<1x768xf32>
    %eq3A_44 = vector.broadcast %broadcast_in_dim3A_43 : vector<1x768xf32> to vector<196x768xf32>
    %eq3A_45 = arith.cmpf oeq, %get3A_39, %eq3A_44 : vector<196x768xf32>
    %jit3A_46 = arith.constant 196 : i32
    %broadcast_in_dim3A_47 = vector.broadcast %jit3A_46 : i32 to vector<196x768xi32>
    %select_n3A_48 = arith.select %eq3A_45, %iota3A_42, %broadcast_in_dim3A_47 : vector<196x768xi1>, vector<196x768xi32>
    %reduce_min3A_49 = arith.constant dense<2147483647> : vector<768xi32>
    %reduce_min3A_50 = vector.multi_reduction <minsi>, %select_n3A_48, %reduce_min3A_49 [0] : vector<196x768xi32> to vector<768xi32>
    %eq3A_51 = arith.constant 0.000000e+00 : f32
    %eq3A_52 = vector.broadcast %eq3A_51 : f32 to vector<768xf32>
    %eq3A_53 = arith.cmpf oeq, %reduce_max3A_41, %eq3A_52 : vector<768xf32>
    %jit3A_54 = arith.constant 195 : i32
    %broadcast_in_dim3A_55 = vector.broadcast %jit3A_54 : i32 to vector<768xi32>
    %select_n3A_56 = arith.select %eq3A_53, %broadcast_in_dim3A_55, %reduce_min3A_50 : vector<768xi1>, vector<768xi32>
    %broadcast_in_dim3A_57 = vector.shape_cast %select_n3A_56 : vector<768xi32> to vector<1x768xi32>
    %eq3A_58 = vector.broadcast %broadcast_in_dim3A_57 : vector<1x768xi32> to vector<196x768xi32>
    %eq3A_59 = arith.cmpi eq, %iota3A_42, %eq3A_58 : vector<196x768xi32>
    %convert_element_type3A_60 = arith.extui %eq3A_59 : vector<196x768xi1> to vector<196x768xi32>
    %convert_element_type3A_61 = arith.sitofp %convert_element_type3A_60 : vector<196x768xi32> to vector<196x768xf32>
    %dot_general3A_62 = arith.constant dense<0.000000e+00> : vector<196x768xf32>
    %dot_general3A_63 = tpu.matmul %get3A_1, %convert_element_type3A_61, %dot_general3A_62 {dimension_numbers = #tpu.dot_dimension_numbers<[1], [0], [0], [1], [0, 0, 1, 1], [], []>, transpose_lhs_hint = false} : vector<196x196xf32>, vector<196x768xf32>, vector<196x768xf32> -> vector<196x768xf32>
    %swap3A_64 = arith.constant 1 : index
    %swap3A_65 = arith.constant 0 : index
    %swap3A_66 = arith.constant 0 : index
    %swap3A_67 = vector.load %arg4[%swap3A_64, %swap3A_65, %swap3A_66] : memref<8x196x768xf32, #tpu.memory_space<vmem>>, vector<1x196x768xf32>
    %swap3A_68 = vector.shape_cast %swap3A_67 : vector<1x196x768xf32> to vector<196x768xf32>
    %swap3A_69 = vector.shape_cast %dot_general3A_63 : vector<196x768xf32> to vector<1x196x768xf32>
    tpu.vector_store %arg4[%swap3A_64, %swap3A_65, %swap3A_66], %swap3A_69 {strides = array<i32>} : memref<8x196x768xf32, #tpu.memory_space<vmem>>, vector<1x196x768xf32>,
    %mul3A_70 = arith.mulf %get3A_39, %dot_general3A_63 : vector<196x768xf32>
    %max3A_71 = arith.constant 0.000000e+00 : f32
    %max3A_72 = vector.broadcast %max3A_71 : f32 to vector<196x768xf32>
    %max3A_73 = arith.maximumf %mul3A_70, %max3A_72 : vector<196x768xf32>
    %swap3A_74 = arith.constant 1 : index
    %swap3A_75 = arith.constant 0 : index
    %swap3A_76 = arith.constant 0 : index
    %swap3A_77 = vector.load %arg3[%swap3A_74, %swap3A_75, %swap3A_76] : memref<8x196x768xf32, #tpu.memory_space<vmem>>, vector<1x196x768xf32>
    %swap3A_78 = vector.shape_cast %swap3A_77 : vector<1x196x768xf32> to vector<196x768xf32>
    %swap3A_79 = vector.shape_cast %max3A_73 : vector<196x768xf32> to vector<1x196x768xf32>
    tpu.vector_store %arg3[%swap3A_74, %swap3A_75, %swap3A_76], %swap3A_79 {strides = array<i32>} : memref<8x196x768xf32, #tpu.memory_space<vmem>>, vector<1x196x768xf32>,
    %get3A_80 = arith.constant 2 : index
    %get3A_81 = arith.constant 0 : index
    %get3A_82 = arith.constant 0 : index
    %get3A_83 = vector.load %arg1[%get3A_80, %get3A_81, %get3A_82] : memref<8x196x768xf32, #tpu.memory_space<vmem>>, vector<1x196x768xf32>
    %get3A_84 = vector.shape_cast %get3A_83 : vector<1x196x768xf32> to vector<196x768xf32>
    %reduce_max3A_85 = arith.constant dense<0xFF800000> : vector<768xf32>
    %reduce_max3A_86 = vector.multi_reduction <maximumf>, %get3A_84, %reduce_max3A_85 [0] : vector<196x768xf32> to vector<768xf32>
    %iota3A_87 = tpu.iota {dimensions = array<i32: 0>} : vector<196x768xi32>
    %broadcast_in_dim3A_88 = vector.shape_cast %reduce_max3A_86 : vector<768xf32> to vector<1x768xf32>
    %eq3A_89 = vector.broadcast %broadcast_in_dim3A_88 : vector<1x768xf32> to vector<196x768xf32>
    %eq3A_90 = arith.cmpf oeq, %get3A_84, %eq3A_89 : vector<196x768xf32>
    %jit3A_91 = arith.constant 196 : i32
    %broadcast_in_dim3A_92 = vector.broadcast %jit3A_91 : i32 to vector<196x768xi32>
    %select_n3A_93 = arith.select %eq3A_90, %iota3A_87, %broadcast_in_dim3A_92 : vector<196x768xi1>, vector<196x768xi32>
    %reduce_min3A_94 = arith.constant dense<2147483647> : vector<768xi32>
    %reduce_min3A_95 = vector.multi_reduction <minsi>, %select_n3A_93, %reduce_min3A_94 [0] : vector<196x768xi32> to vector<768xi32>
    %eq3A_96 = arith.constant 0.000000e+00 : f32
    %eq3A_97 = vector.broadcast %eq3A_96 : f32 to vector<768xf32>
    %eq3A_98 = arith.cmpf oeq, %reduce_max3A_86, %eq3A_97 : vector<768xf32>
    %jit3A_99 = arith.constant 195 : i32
    %broadcast_in_dim3A_100 = vector.broadcast %jit3A_99 : i32 to vector<768xi32>
    %select_n3A_101 = arith.select %eq3A_98, %broadcast_in_dim3A_100, %reduce_min3A_95 : vector<768xi1>, vector<768xi32>
    %broadcast_in_dim3A_102 = vector.shape_cast %select_n3A_101 : vector<768xi32> to vector<1x768xi32>
    %eq3A_103 = vector.broadcast %broadcast_in_dim3A_102 : vector<1x768xi32> to vector<196x768xi32>
    %eq3A_104 = arith.cmpi eq, %iota3A_87, %eq3A_103 : vector<196x768xi32>
    %convert_element_type3A_105 = arith.extui %eq3A_104 : vector<196x768xi1> to vector<196x768xi32>
    %convert_element_type3A_106 = arith.sitofp %convert_element_type3A_105 : vector<196x768xi32> to vector<196x768xf32>
    %dot_general3A_107 = arith.constant dense<0.000000e+00> : vector<196x768xf32>
    %dot_general3A_108 = tpu.matmul %get3A_1, %convert_element_type3A_106, %dot_general3A_107 {dimension_numbers = #tpu.dot_dimension_numbers<[1], [0], [0], [1], [0, 0, 1, 1], [], []>, transpose_lhs_hint = false} : vector<196x196xf32>, vector<196x768xf32>, vector<196x768xf32> -> vector<196x768xf32>
    %swap3A_109 = arith.constant 2 : index
    %swap3A_110 = arith.constant 0 : index
    %swap3A_111 = arith.constant 0 : index
    %swap3A_112 = vector.load %arg4[%swap3A_109, %swap3A_110, %swap3A_111] : memref<8x196x768xf32, #tpu.memory_space<vmem>>, vector<1x196x768xf32>
    %swap3A_113 = vector.shape_cast %swap3A_112 : vector<1x196x768xf32> to vector<196x768xf32>
    %swap3A_114 = vector.shape_cast %dot_general3A_108 : vector<196x768xf32> to vector<1x196x768xf32>
    tpu.vector_store %arg4[%swap3A_109, %swap3A_110, %swap3A_111], %swap3A_114 {strides = array<i32>} : memref<8x196x768xf32, #tpu.memory_space<vmem>>, vector<1x196x768xf32>,
    %mul3A_115 = arith.mulf %get3A_84, %dot_general3A_108 : vector<196x768xf32>
    %max3A_116 = arith.constant 0.000000e+00 : f32
    %max3A_117 = vector.broadcast %max3A_116 : f32 to vector<196x768xf32>
    %max3A_118 = arith.maximumf %mul3A_115, %max3A_117 : vector<196x768xf32>
    %swap3A_119 = arith.constant 2 : index
    %swap3A_120 = arith.constant 0 : index
    %swap3A_121 = arith.constant 0 : index
    %swap3A_122 = vector.load %arg3[%swap3A_119, %swap3A_120, %swap3A_121] : memref<8x196x768xf32, #tpu.memory_space<vmem>>, vector<1x196x768xf32>
    %swap3A_123 = vector.shape_cast %swap3A_122 : vector<1x196x768xf32> to vector<196x768xf32>
    %swap3A_124 = vector.shape_cast %max3A_118 : vector<196x768xf32> to vector<1x196x768xf32>
    tpu.vector_store %arg3[%swap3A_119, %swap3A_120, %swap3A_121], %swap3A_124 {strides = array<i32>} : memref<8x196x768xf32, #tpu.memory_space<vmem>>, vector<1x196x768xf32>,
    %get3A_125 = arith.constant 3 : index
    %get3A_126 = arith.constant 0 : index
    %get3A_127 = arith.constant 0 : index
    %get3A_128 = vector.load %arg1[%get3A_125, %get3A_126, %get3A_127] : memref<8x196x768xf32, #tpu.memory_space<vmem>>, vector<1x196x768xf32>
    %get3A_129 = vector.shape_cast %get3A_128 : vector<1x196x768xf32> to vector<196x768xf32>
    %reduce_max3A_130 = arith.constant dense<0xFF800000> : vector<768xf32>
    %reduce_max3A_131 = vector.multi_reduction <maximumf>, %get3A_129, %reduce_max3A_130 [0] : vector<196x768xf32> to vector<768xf32>
    %iota3A_132 = tpu.iota {dimensions = array<i32: 0>} : vector<196x768xi32>
    %broadcast_in_dim3A_133 = vector.shape_cast %reduce_max3A_131 : vector<768xf32> to vector<1x768xf32>
    %eq3A_134 = vector.broadcast %broadcast_in_dim3A_133 : vector<1x768xf32> to vector<196x768xf32>
    %eq3A_135 = arith.cmpf oeq, %get3A_129, %eq3A_134 : vector<196x768xf32>
    %jit3A_136 = arith.constant 196 : i32
    %broadcast_in_dim3A_137 = vector.broadcast %jit3A_136 : i32 to vector<196x768xi32>
    %select_n3A_138 = arith.select %eq3A_135, %iota3A_132, %broadcast_in_dim3A_137 : vector<196x768xi1>, vector<196x768xi32>
    %reduce_min3A_139 = arith.constant dense<2147483647> : vector<768xi32>
    %reduce_min3A_140 = vector.multi_reduction <minsi>, %select_n3A_138, %reduce_min3A_139 [0] : vector<196x768xi32> to vector<768xi32>
    %eq3A_141 = arith.constant 0.000000e+00 : f32
    %eq3A_142 = vector.broadcast %eq3A_141 : f32 to vector<768xf32>
    %eq3A_143 = arith.cmpf oeq, %reduce_max3A_131, %eq3A_142 : vector<768xf32>
    %jit3A_144 = arith.constant 195 : i32
    %broadcast_in_dim3A_145 = vector.broadcast %jit3A_144 : i32 to vector<768xi32>
    %select_n3A_146 = arith.select %eq3A_143, %broadcast_in_dim3A_145, %reduce_min3A_140 : vector<768xi1>, vector<768xi32>
    %broadcast_in_dim3A_147 = vector.shape_cast %select_n3A_146 : vector<768xi32> to vector<1x768xi32>
    %eq3A_148 = vector.broadcast %broadcast_in_dim3A_147 : vector<1x768xi32> to vector<196x768xi32>
    %eq3A_149 = arith.cmpi eq, %iota3A_132, %eq3A_148 : vector<196x768xi32>
    %convert_element_type3A_150 = arith.extui %eq3A_149 : vector<196x768xi1> to vector<196x768xi32>
    %convert_element_type3A_151 = arith.sitofp %convert_element_type3A_150 : vector<196x768xi32> to vector<196x768xf32>
    %dot_general3A_152 = arith.constant dense<0.000000e+00> : vector<196x768xf32>
    %dot_general3A_153 = tpu.matmul %get3A_1, %convert_element_type3A_151, %dot_general3A_152 {dimension_numbers = #tpu.dot_dimension_numbers<[1], [0], [0], [1], [0, 0, 1, 1], [], []>, transpose_lhs_hint = false} : vector<196x196xf32>, vector<196x768xf32>, vector<196x768xf32> -> vector<196x768xf32>
    %swap3A_154 = arith.constant 3 : index
    %swap3A_155 = arith.constant 0 : index
    %swap3A_156 = arith.constant 0 : index
    %swap3A_157 = vector.load %arg4[%swap3A_154, %swap3A_155, %swap3A_156] : memref<8x196x768xf32, #tpu.memory_space<vmem>>, vector<1x196x768xf32>
    %swap3A_158 = vector.shape_cast %swap3A_157 : vector<1x196x768xf32> to vector<196x768xf32>
    %swap3A_159 = vector.shape_cast %dot_general3A_153 : vector<196x768xf32> to vector<1x196x768xf32>
    tpu.vector_store %arg4[%swap3A_154, %swap3A_155, %swap3A_156], %swap3A_159 {strides = array<i32>} : memref<8x196x768xf32, #tpu.memory_space<vmem>>, vector<1x196x768xf32>,
    %mul3A_160 = arith.mulf %get3A_129, %dot_general3A_153 : vector<196x768xf32>
    %max3A_161 = arith.constant 0.000000e+00 : f32
    %max3A_162 = vector.broadcast %max3A_161 : f32 to vector<196x768xf32>
    %max3A_163 = arith.maximumf %mul3A_160, %max3A_162 : vector<196x768xf32>
    %swap3A_164 = arith.constant 3 : index
    %swap3A_165 = arith.constant 0 : index
    %swap3A_166 = arith.constant 0 : index
    %swap3A_167 = vector.load %arg3[%swap3A_164, %swap3A_165, %swap3A_166] : memref<8x196x768xf32, #tpu.memory_space<vmem>>, vector<1x196x768xf32>
    %swap3A_168 = vector.shape_cast %swap3A_167 : vector<1x196x768xf32> to vector<196x768xf32>
    %swap3A_169 = vector.shape_cast %max3A_163 : vector<196x768xf32> to vector<1x196x768xf32>
    tpu.vector_store %arg3[%swap3A_164, %swap3A_165, %swap3A_166], %swap3A_169 {strides = array<i32>} : memref<8x196x768xf32, #tpu.memory_space<vmem>>, vector<1x196x768xf32>,
    %get3A_170 = arith.constant 4 : index
    %get3A_171 = arith.constant 0 : index
    %get3A_172 = arith.constant 0 : index
    %get3A_173 = vector.load %arg1[%get3A_170, %get3A_171, %get3A_172] : memref<8x196x768xf32, #tpu.memory_space<vmem>>, vector<1x196x768xf32>
    %get3A_174 = vector.shape_cast %get3A_173 : vector<1x196x768xf32> to vector<196x768xf32>
    %reduce_max3A_175 = arith.constant dense<0xFF800000> : vector<768xf32>
    %reduce_max3A_176 = vector.multi_reduction <maximumf>, %get3A_174, %reduce_max3A_175 [0] : vector<196x768xf32> to vector<768xf32>
    %iota3A_177 = tpu.iota {dimensions = array<i32: 0>} : vector<196x768xi32>
    %broadcast_in_dim3A_178 = vector.shape_cast %reduce_max3A_176 : vector<768xf32> to vector<1x768xf32>
    %eq3A_179 = vector.broadcast %broadcast_in_dim3A_178 : vector<1x768xf32> to vector<196x768xf32>
    %eq3A_180 = arith.cmpf oeq, %get3A_174, %eq3A_179 : vector<196x768xf32>
    %jit3A_181 = arith.constant 196 : i32
    %broadcast_in_dim3A_182 = vector.broadcast %jit3A_181 : i32 to vector<196x768xi32>
    %select_n3A_183 = arith.select %eq3A_180, %iota3A_177, %broadcast_in_dim3A_182 : vector<196x768xi1>, vector<196x768xi32>
    %reduce_min3A_184 = arith.constant dense<2147483647> : vector<768xi32>
    %reduce_min3A_185 = vector.multi_reduction <minsi>, %select_n3A_183, %reduce_min3A_184 [0] : vector<196x768xi32> to vector<768xi32>
    %eq3A_186 = arith.constant 0.000000e+00 : f32
    %eq3A_187 = vector.broadcast %eq3A_186 : f32 to vector<768xf32>
    %eq3A_188 = arith.cmpf oeq, %reduce_max3A_176, %eq3A_187 : vector<768xf32>
    %jit3A_189 = arith.constant 195 : i32
    %broadcast_in_dim3A_190 = vector.broadcast %jit3A_189 : i32 to vector<768xi32>
    %select_n3A_191 = arith.select %eq3A_188, %broadcast_in_dim3A_190, %reduce_min3A_185 : vector<768xi1>, vector<768xi32>
    %broadcast_in_dim3A_192 = vector.shape_cast %select_n3A_191 : vector<768xi32> to vector<1x768xi32>
    %eq3A_193 = vector.broadcast %broadcast_in_dim3A_192 : vector<1x768xi32> to vector<196x768xi32>
    %eq3A_194 = arith.cmpi eq, %iota3A_177, %eq3A_193 : vector<196x768xi32>
    %convert_element_type3A_195 = arith.extui %eq3A_194 : vector<196x768xi1> to vector<196x768xi32>
    %convert_element_type3A_196 = arith.sitofp %convert_element_type3A_195 : vector<196x768xi32> to vector<196x768xf32>
    %dot_general3A_197 = arith.constant dense<0.000000e+00> : vector<196x768xf32>
    %dot_general3A_198 = tpu.matmul %get3A_1, %convert_element_type3A_196, %dot_general3A_197 {dimension_numbers = #tpu.dot_dimension_numbers<[1], [0], [0], [1], [0, 0, 1, 1], [], []>, transpose_lhs_hint = false} : vector<196x196xf32>, vector<196x768xf32>, vector<196x768xf32> -> vector<196x768xf32>
    %swap3A_199 = arith.constant 4 : index
    %swap3A_200 = arith.constant 0 : index
    %swap3A_201 = arith.constant 0 : index
    %swap3A_202 = vector.load %arg4[%swap3A_199, %swap3A_200, %swap3A_201] : memref<8x196x768xf32, #tpu.memory_space<vmem>>, vector<1x196x768xf32>
    %swap3A_203 = vector.shape_cast %swap3A_202 : vector<1x196x768xf32> to vector<196x768xf32>
    %swap3A_204 = vector.shape_cast %dot_general3A_198 : vector<196x768xf32> to vector<1x196x768xf32>
    tpu.vector_store %arg4[%swap3A_199, %swap3A_200, %swap3A_201], %swap3A_204 {strides = array<i32>} : memref<8x196x768xf32, #tpu.memory_space<vmem>>, vector<1x196x768xf32>,
    %mul3A_205 = arith.mulf %get3A_174, %dot_general3A_198 : vector<196x768xf32>
    %max3A_206 = arith.constant 0.000000e+00 : f32
    %max3A_207 = vector.broadcast %max3A_206 : f32 to vector<196x768xf32>
    %max3A_208 = arith.maximumf %mul3A_205, %max3A_207 : vector<196x768xf32>
    %swap3A_209 = arith.constant 4 : index
    %swap3A_210 = arith.constant 0 : index
    %swap3A_211 = arith.constant 0 : index
    %swap3A_212 = vector.load %arg3[%swap3A_209, %swap3A_210, %swap3A_211] : memref<8x196x768xf32, #tpu.memory_space<vmem>>, vector<1x196x768xf32>
    %swap3A_213 = vector.shape_cast %swap3A_212 : vector<1x196x768xf32> to vector<196x768xf32>
    %swap3A_214 = vector.shape_cast %max3A_208 : vector<196x768xf32> to vector<1x196x768xf32>
    tpu.vector_store %arg3[%swap3A_209, %swap3A_210, %swap3A_211], %swap3A_214 {strides = array<i32>} : memref<8x196x768xf32, #tpu.memory_space<vmem>>, vector<1x196x768xf32>,
    %get3A_215 = arith.constant 5 : index
    %get3A_216 = arith.constant 0 : index
    %get3A_217 = arith.constant 0 : index
    %get3A_218 = vector.load %arg1[%get3A_215, %get3A_216, %get3A_217] : memref<8x196x768xf32, #tpu.memory_space<vmem>>, vector<1x196x768xf32>
    %get3A_219 = vector.shape_cast %get3A_218 : vector<1x196x768xf32> to vector<196x768xf32>
    %reduce_max3A_220 = arith.constant dense<0xFF800000> : vector<768xf32>
    %reduce_max3A_221 = vector.multi_reduction <maximumf>, %get3A_219, %reduce_max3A_220 [0] : vector<196x768xf32> to vector<768xf32>
    %iota3A_222 = tpu.iota {dimensions = array<i32: 0>} : vector<196x768xi32>
    %broadcast_in_dim3A_223 = vector.shape_cast %reduce_max3A_221 : vector<768xf32> to vector<1x768xf32>
    %eq3A_224 = vector.broadcast %broadcast_in_dim3A_223 : vector<1x768xf32> to vector<196x768xf32>
    %eq3A_225 = arith.cmpf oeq, %get3A_219, %eq3A_224 : vector<196x768xf32>
    %jit3A_226 = arith.constant 196 : i32
    %broadcast_in_dim3A_227 = vector.broadcast %jit3A_226 : i32 to vector<196x768xi32>
    %select_n3A_228 = arith.select %eq3A_225, %iota3A_222, %broadcast_in_dim3A_227 : vector<196x768xi1>, vector<196x768xi32>
    %reduce_min3A_229 = arith.constant dense<2147483647> : vector<768xi32>
    %reduce_min3A_230 = vector.multi_reduction <minsi>, %select_n3A_228, %reduce_min3A_229 [0] : vector<196x768xi32> to vector<768xi32>
    %eq3A_231 = arith.constant 0.000000e+00 : f32
    %eq3A_232 = vector.broadcast %eq3A_231 : f32 to vector<768xf32>
    %eq3A_233 = arith.cmpf oeq, %reduce_max3A_221, %eq3A_232 : vector<768xf32>
    %jit3A_234 = arith.constant 195 : i32
    %broadcast_in_dim3A_235 = vector.broadcast %jit3A_234 : i32 to vector<768xi32>
    %select_n3A_236 = arith.select %eq3A_233, %broadcast_in_dim3A_235, %reduce_min3A_230 : vector<768xi1>, vector<768xi32>
    %broadcast_in_dim3A_237 = vector.shape_cast %select_n3A_236 : vector<768xi32> to vector<1x768xi32>
    %eq3A_238 = vector.broadcast %broadcast_in_dim3A_237 : vector<1x768xi32> to vector<196x768xi32>
    %eq3A_239 = arith.cmpi eq, %iota3A_222, %eq3A_238 : vector<196x768xi32>
    %convert_element_type3A_240 = arith.extui %eq3A_239 : vector<196x768xi1> to vector<196x768xi32>
    %convert_element_type3A_241 = arith.sitofp %convert_element_type3A_240 : vector<196x768xi32> to vector<196x768xf32>
    %dot_general3A_242 = arith.constant dense<0.000000e+00> : vector<196x768xf32>
    %dot_general3A_243 = tpu.matmul %get3A_1, %convert_element_type3A_241, %dot_general3A_242 {dimension_numbers = #tpu.dot_dimension_numbers<[1], [0], [0], [1], [0, 0, 1, 1], [], []>, transpose_lhs_hint = false} : vector<196x196xf32>, vector<196x768xf32>, vector<196x768xf32> -> vector<196x768xf32>
    %swap3A_244 = arith.constant 5 : index
    %swap3A_245 = arith.constant 0 : index
    %swap3A_246 = arith.constant 0 : index
    %swap3A_247 = vector.load %arg4[%swap3A_244, %swap3A_245, %swap3A_246] : memref<8x196x768xf32, #tpu.memory_space<vmem>>, vector<1x196x768xf32>
    %swap3A_248 = vector.shape_cast %swap3A_247 : vector<1x196x768xf32> to vector<196x768xf32>
    %swap3A_249 = vector.shape_cast %dot_general3A_243 : vector<196x768xf32> to vector<1x196x768xf32>
    tpu.vector_store %arg4[%swap3A_244, %swap3A_245, %swap3A_246], %swap3A_249 {strides = array<i32>} : memref<8x196x768xf32, #tpu.memory_space<vmem>>, vector<1x196x768xf32>,
    %mul3A_250 = arith.mulf %get3A_219, %dot_general3A_243 : vector<196x768xf32>
    %max3A_251 = arith.constant 0.000000e+00 : f32
    %max3A_252 = vector.broadcast %max3A_251 : f32 to vector<196x768xf32>
    %max3A_253 = arith.maximumf %mul3A_250, %max3A_252 : vector<196x768xf32>
    %swap3A_254 = arith.constant 5 : index
    %swap3A_255 = arith.constant 0 : index
    %swap3A_256 = arith.constant 0 : index
    %swap3A_257 = vector.load %arg3[%swap3A_254, %swap3A_255, %swap3A_256] : memref<8x196x768xf32, #tpu.memory_space<vmem>>, vector<1x196x768xf32>
    %swap3A_258 = vector.shape_cast %swap3A_257 : vector<1x196x768xf32> to vector<196x768xf32>
    %swap3A_259 = vector.shape_cast %max3A_253 : vector<196x768xf32> to vector<1x196x768xf32>
    tpu.vector_store %arg3[%swap3A_254, %swap3A_255, %swap3A_256], %swap3A_259 {strides = array<i32>} : memref<8x196x768xf32, #tpu.memory_space<vmem>>, vector<1x196x768xf32>,
    %get3A_260 = arith.constant 6 : index
    %get3A_261 = arith.constant 0 : index
    %get3A_262 = arith.constant 0 : index
    %get3A_263 = vector.load %arg1[%get3A_260, %get3A_261, %get3A_262] : memref<8x196x768xf32, #tpu.memory_space<vmem>>, vector<1x196x768xf32>
    %get3A_264 = vector.shape_cast %get3A_263 : vector<1x196x768xf32> to vector<196x768xf32>
    %reduce_max3A_265 = arith.constant dense<0xFF800000> : vector<768xf32>
    %reduce_max3A_266 = vector.multi_reduction <maximumf>, %get3A_264, %reduce_max3A_265 [0] : vector<196x768xf32> to vector<768xf32>
    %iota3A_267 = tpu.iota {dimensions = array<i32: 0>} : vector<196x768xi32>
    %broadcast_in_dim3A_268 = vector.shape_cast %reduce_max3A_266 : vector<768xf32> to vector<1x768xf32>
    %eq3A_269 = vector.broadcast %broadcast_in_dim3A_268 : vector<1x768xf32> to vector<196x768xf32>
    %eq3A_270 = arith.cmpf oeq, %get3A_264, %eq3A_269 : vector<196x768xf32>
    %jit3A_271 = arith.constant 196 : i32
    %broadcast_in_dim3A_272 = vector.broadcast %jit3A_271 : i32 to vector<196x768xi32>
    %select_n3A_273 = arith.select %eq3A_270, %iota3A_267, %broadcast_in_dim3A_272 : vector<196x768xi1>, vector<196x768xi32>
    %reduce_min3A_274 = arith.constant dense<2147483647> : vector<768xi32>
    %reduce_min3A_275 = vector.multi_reduction <minsi>, %select_n3A_273, %reduce_min3A_274 [0] : vector<196x768xi32> to vector<768xi32>
    %eq3A_276 = arith.constant 0.000000e+00 : f32
    %eq3A_277 = vector.broadcast %eq3A_276 : f32 to vector<768xf32>
    %eq3A_278 = arith.cmpf oeq, %reduce_max3A_266, %eq3A_277 : vector<768xf32>
    %jit3A_279 = arith.constant 195 : i32
    %broadcast_in_dim3A_280 = vector.broadcast %jit3A_279 : i32 to vector<768xi32>
    %select_n3A_281 = arith.select %eq3A_278, %broadcast_in_dim3A_280, %reduce_min3A_275 : vector<768xi1>, vector<768xi32>
    %broadcast_in_dim3A_282 = vector.shape_cast %select_n3A_281 : vector<768xi32> to vector<1x768xi32>
    %eq3A_283 = vector.broadcast %broadcast_in_dim3A_282 : vector<1x768xi32> to vector<196x768xi32>
    %eq3A_284 = arith.cmpi eq, %iota3A_267, %eq3A_283 : vector<196x768xi32>
    %convert_element_type3A_285 = arith.extui %eq3A_284 : vector<196x768xi1> to vector<196x768xi32>
    %convert_element_type3A_286 = arith.sitofp %convert_element_type3A_285 : vector<196x768xi32> to vector<196x768xf32>
    %dot_general3A_287 = arith.constant dense<0.000000e+00> : vector<196x768xf32>
    %dot_general3A_288 = tpu.matmul %get3A_1, %convert_element_type3A_286, %dot_general3A_287 {dimension_numbers = #tpu.dot_dimension_numbers<[1], [0], [0], [1], [0, 0, 1, 1], [], []>, transpose_lhs_hint = false} : vector<196x196xf32>, vector<196x768xf32>, vector<196x768xf32> -> vector<196x768xf32>
    %swap3A_289 = arith.constant 6 : index
    %swap3A_290 = arith.constant 0 : index
    %swap3A_291 = arith.constant 0 : index
    %swap3A_292 = vector.load %arg4[%swap3A_289, %swap3A_290, %swap3A_291] : memref<8x196x768xf32, #tpu.memory_space<vmem>>, vector<1x196x768xf32>
    %swap3A_293 = vector.shape_cast %swap3A_292 : vector<1x196x768xf32> to vector<196x768xf32>
    %swap3A_294 = vector.shape_cast %dot_general3A_288 : vector<196x768xf32> to vector<1x196x768xf32>
    tpu.vector_store %arg4[%swap3A_289, %swap3A_290, %swap3A_291], %swap3A_294 {strides = array<i32>} : memref<8x196x768xf32, #tpu.memory_space<vmem>>, vector<1x196x768xf32>,
    %mul3A_295 = arith.mulf %get3A_264, %dot_general3A_288 : vector<196x768xf32>
    %max3A_296 = arith.constant 0.000000e+00 : f32
    %max3A_297 = vector.broadcast %max3A_296 : f32 to vector<196x768xf32>
    %max3A_298 = arith.maximumf %mul3A_295, %max3A_297 : vector<196x768xf32>
    %swap3A_299 = arith.constant 6 : index
    %swap3A_300 = arith.constant 0 : index
    %swap3A_301 = arith.constant 0 : index
    %swap3A_302 = vector.load %arg3[%swap3A_299, %swap3A_300, %swap3A_301] : memref<8x196x768xf32, #tpu.memory_space<vmem>>, vector<1x196x768xf32>
    %swap3A_303 = vector.shape_cast %swap3A_302 : vector<1x196x768xf32> to vector<196x768xf32>
    %swap3A_304 = vector.shape_cast %max3A_298 : vector<196x768xf32> to vector<1x196x768xf32>
    tpu.vector_store %arg3[%swap3A_299, %swap3A_300, %swap3A_301], %swap3A_304 {strides = array<i32>} : memref<8x196x768xf32, #tpu.memory_space<vmem>>, vector<1x196x768xf32>,
    %get3A_305 = arith.constant 7 : index
    %get3A_306 = arith.constant 0 : index
    %get3A_307 = arith.constant 0 : index
    %get3A_308 = vector.load %arg1[%get3A_305, %get3A_306, %get3A_307] : memref<8x196x768xf32, #tpu.memory_space<vmem>>, vector<1x196x768xf32>
    %get3A_309 = vector.shape_cast %get3A_308 : vector<1x196x768xf32> to vector<196x768xf32>
    %reduce_max3A_310 = arith.constant dense<0xFF800000> : vector<768xf32>
    %reduce_max3A_311 = vector.multi_reduction <maximumf>, %get3A_309, %reduce_max3A_310 [0] : vector<196x768xf32> to vector<768xf32>
    %iota3A_312 = tpu.iota {dimensions = array<i32: 0>} : vector<196x768xi32>
    %broadcast_in_dim3A_313 = vector.shape_cast %reduce_max3A_311 : vector<768xf32> to vector<1x768xf32>
    %eq3A_314 = vector.broadcast %broadcast_in_dim3A_313 : vector<1x768xf32> to vector<196x768xf32>
    %eq3A_315 = arith.cmpf oeq, %get3A_309, %eq3A_314 : vector<196x768xf32>
    %jit3A_316 = arith.constant 196 : i32
    %broadcast_in_dim3A_317 = vector.broadcast %jit3A_316 : i32 to vector<196x768xi32>
    %select_n3A_318 = arith.select %eq3A_315, %iota3A_312, %broadcast_in_dim3A_317 : vector<196x768xi1>, vector<196x768xi32>
    %reduce_min3A_319 = arith.constant dense<2147483647> : vector<768xi32>
    %reduce_min3A_320 = vector.multi_reduction <minsi>, %select_n3A_318, %reduce_min3A_319 [0] : vector<196x768xi32> to vector<768xi32>
    %eq3A_321 = arith.constant 0.000000e+00 : f32
    %eq3A_322 = vector.broadcast %eq3A_321 : f32 to vector<768xf32>
    %eq3A_323 = arith.cmpf oeq, %reduce_max3A_311, %eq3A_322 : vector<768xf32>
    %jit3A_324 = arith.constant 195 : i32
    %broadcast_in_dim3A_325 = vector.broadcast %jit3A_324 : i32 to vector<768xi32>
    %select_n3A_326 = arith.select %eq3A_323, %broadcast_in_dim3A_325, %reduce_min3A_320 : vector<768xi1>, vector<768xi32>
    %broadcast_in_dim3A_327 = vector.shape_cast %select_n3A_326 : vector<768xi32> to vector<1x768xi32>
    %eq3A_328 = vector.broadcast %broadcast_in_dim3A_327 : vector<1x768xi32> to vector<196x768xi32>
    %eq3A_329 = arith.cmpi eq, %iota3A_312, %eq3A_328 : vector<196x768xi32>
    %convert_element_type3A_330 = arith.extui %eq3A_329 : vector<196x768xi1> to vector<196x768xi32>
    %convert_element_type3A_331 = arith.sitofp %convert_element_type3A_330 : vector<196x768xi32> to vector<196x768xf32>
    %dot_general3A_332 = arith.constant dense<0.000000e+00> : vector<196x768xf32>
    %dot_general3A_333 = tpu.matmul %get3A_1, %convert_element_type3A_331, %dot_general3A_332 {dimension_numbers = #tpu.dot_dimension_numbers<[1], [0], [0], [1], [0, 0, 1, 1], [], []>, transpose_lhs_hint = false} : vector<196x196xf32>, vector<196x768xf32>, vector<196x768xf32> -> vector<196x768xf32>
    %swap3A_334 = arith.constant 7 : index
    %swap3A_335 = arith.constant 0 : index
    %swap3A_336 = arith.constant 0 : index
    %swap3A_337 = vector.load %arg4[%swap3A_334, %swap3A_335, %swap3A_336] : memref<8x196x768xf32, #tpu.memory_space<vmem>>, vector<1x196x768xf32>
    %swap3A_338 = vector.shape_cast %swap3A_337 : vector<1x196x768xf32> to vector<196x768xf32>
    %swap3A_339 = vector.shape_cast %dot_general3A_333 : vector<196x768xf32> to vector<1x196x768xf32>
    tpu.vector_store %arg4[%swap3A_334, %swap3A_335, %swap3A_336], %swap3A_339 {strides = array<i32>} : memref<8x196x768xf32, #tpu.memory_space<vmem>>, vector<1x196x768xf32>,
    %mul3A_340 = arith.mulf %get3A_309, %dot_general3A_333 : vector<196x768xf32>
    %max3A_341 = arith.constant 0.000000e+00 : f32
    %max3A_342 = vector.broadcast %max3A_341 : f32 to vector<196x768xf32>
    %max3A_343 = arith.maximumf %mul3A_340, %max3A_342 : vector<196x768xf32>
    %swap3A_344 = arith.constant 7 : index
    %swap3A_345 = arith.constant 0 : index
    %swap3A_346 = arith.constant 0 : index
    %swap3A_347 = vector.load %arg3[%swap3A_344, %swap3A_345, %swap3A_346] : memref<8x196x768xf32, #tpu.memory_space<vmem>>, vector<1x196x768xf32>
    %swap3A_348 = vector.shape_cast %swap3A_347 : vector<1x196x768xf32> to vector<196x768xf32>
    %swap3A_349 = vector.shape_cast %max3A_343 : vector<196x768xf32> to vector<1x196x768xf32>
    tpu.vector_store %arg3[%swap3A_344, %swap3A_345, %swap3A_346], %swap3A_349 {strides = array<i32>} : memref<8x196x768xf32, #tpu.memory_space<vmem>>, vector<1x196x768xf32>,
    return
  }
  func.func @transform_0(%arg0: i32) -> (i32, i32, i32) {
    %c0_i32 = arith.constant 0 : i32
    %c0_i32_0 = arith.constant 0 : i32
    %c0_i32_1 = arith.constant 0 : i32
    return %arg0, %c0_i32, %c0_i32_0 : i32, i32, i32
  }
  func.func @transform_1(%arg0: i32) -> (i32, i32) {
    %c0_i32 = arith.constant 0 : i32
    %c0_i32_0 = arith.constant 0 : i32
    %c0_i32_1 = arith.constant 0 : i32
    return %c0_i32, %c0_i32_0 : i32, i32
  }
  func.func @transform_2(%arg0: i32) -> (i32, i32, i32) {
    %c0_i32 = arith.constant 0 : i32
    %c0_i32_0 = arith.constant 0 : i32
    %c0_i32_1 = arith.constant 0 : i32
    return %arg0, %c0_i32, %c0_i32_0 : i32, i32, i32
  }
  func.func @transform_3(%arg0: i32) -> (i32, i32, i32) {
    %c0_i32 = arith.constant 0 : i32
    %c0_i32_0 = arith.constant 0 : i32
    %c0_i32_1 = arith.constant 0 : i32
    return %arg0, %c0_i32, %c0_i32_0 : i32, i32, i32
  }
}

</mosaic_0001>

<sc_bundles>
// kernel: kernel.4.cloned.1.call-start
scs
__scs_entry_jumppad:
0x0: {  	(pc) =	sbr.rel $0x88, $3  }
0x1: {  	(tag) =	ssettag $0x0;
	lr =	simm.s32 $0x1  }
0x2: {  	[smem:$0x3F9F] =	sst lr;
	_ =	strace $0xD0000000  }
0x3: {  	_ = 	snop  }
0x4: {  	_ = 	snop  }
0x5: {  	_ = 	snop  }
0x6: {  	_ = 	snop  }
0x7: {  	_ = 	snop  }
__scs_overlays_trampoline_lowered:
0x8: {  	[smem:$0x3FAE] =	sst s0  }
0x9: {  	[smem:$0x3FAF] =	sst s1  }
0xa: {  	[smem:$0x3FB0] =	sst s2  }
0xb: {  	[smem:$0x3FB1] =	sst s3  }
0xc: {  	[smem:$0x3FB2] =	sst s4  }
0xd: {  	[smem:$0x3FB3] =	sst s5  }
0xe: {  	[smem:$0x3FB4] =	sst s6  }
0xf: {  	[smem:$0x3FB5] =	sst s7  }
0x10: {  	[smem:$0x3FB6] =	sst s8  }
0x11: {  	[smem:$0x3FB7] =	sst s9;
	s0 =	simm.s32 @!p0 $0x0  }
0x12: {  	s1 =	sld [smem:$0x3F9D];
	s0 =	simm.s32 @p0 $0x1  }
0x13: {  	[smem:$0x3FB8] =	sst s0;
	s0 =	simm.s32 @!p1 $0x0  }
0x14: {  	s2 =	sld [smem:$0x3F9C];
	s0 =	simm.s32 @p1 $0x1  }
0x15: {  	[smem:$0x3FB9] =	sst s0;
	s0 =	simm.s32 @!p2 $0x0  }
0x16: {  	s3 =	sld [smem:$0x3FDB];
	s0 =	simm.s32 @p2 $0x1  }
0x17: {  	s4 =	simm.s32 $0x1BF5;
	[smem:$0x3FBB] =	sst s0  }
0x18: {  	s0 =	sld [smem:$0x3F9E];
	_ =	swait.ge [sflag:s4], $0x0  }
0x19: {  	s7 =	sld [smem:$0x3F9F]  }
0x1a: {  	s8 =	sadd.s32 $0xFFFFE003, lr  }
0x1b: {  	s9 =	sadd.s32 $0xFFFFFEF7, lr;
	s5 =	simm.s32 $0xFFFFFFFF;
	p2 =	slt.u32 s8, $0xFFFFF086  }
0x1c: {  	p1 =	slt.u32 s9, $0xF7A;
	s5 =	simm.s32 @!p2 $0x0  }
0x1d: {  	s5 =	simm.s32 @p1 $0x1;
	p0 =	seq.s32 s7, s2  }
0x1e: {  	s7 =	smul.u32 @!p0 $0xF7A, s2;
	p2 =	seq.s32 @!p0 s5, $0x0  }
0x1f: {  	s9 =	smul.u32 $0xF7A, s1;
	s8 =	simm.s32 @!p0 $0x1BF5;
	p2 =	por !p2, p0  }
0x20: {  	[sflag:s8] =	ssyncset.s32 @!p0 $0xFFFFF086;
	s6 =	sadd.s32 @!p0 s3, s7;
	s7 =	simm.s32 @!p0 $0x108  }
0x21: {  	s3 =	sadd.s32 s3, s9;
	s6 =	sadd.s32 @!p0 $0x88, s6;
	s7 =	simm.s32 @p2 $0x1082  }
0x22: {  	[simem:s7], [sflag:s8] =	dma.local @!p0 [hbm:s6], $0xF7A  }
0x23: {  	s9 =	sor.u32 $0xD0000000, s2;
	s6 =	simm.s32 $0x108;
	_ =	swait.ge @!p0 [sflag:s8], $0x0  }
0x24: {  	s3 =	sadd.s32 $0x88, s3;
	s6 =	simm.s32 @!p1 $0x1082;
	[sflag:s4] =	ssyncset.s32 $0xFFFFF086  }
0x25: {  	[simem:s6], [sflag:s4] =	dma.local [hbm:s3], $0xF7A  }
0x26: {  	[smem:$0x3F9F] =	sst s1;
	(tag) =	ssettag s2;
	_ =	strace s9  }
0x27: {  	s1 =	sld [smem:$0x3FAF]  }
0x28: {  	s2 =	sld [smem:$0x3FB0]  }
0x29: {  	s4 =	sld [smem:$0x3FB2]  }
0x2a: {  	p0 =	seq.s32 s5, $0x0;
	s5 =	sld [smem:$0x3FB3]  }
0x2b: {  	s6 =	sld [smem:$0x3FB4]  }
0x2c: {  	s7 =	sld [smem:$0x3FB5]  }
0x2d: {  	s3 =	simm.s32 $0x108;
	s8 =	sld [smem:$0x3FB6]  }
0x2e: {  	s3 =	simm.s32 @!p0 $0x1082;
	s9 =	sld [smem:$0x3FB7]  }
0x2f: {  	lr =	sadd.s32 s0, s3;
	s0 =	sld [smem:$0x3FAE]  }
0x30: {  	s3 =	sld [smem:$0x3FB1]  }
0x31: {  	[smem:$0x3FBA] =	sst s10  }
0x32: {  	s10 =	sld [smem:$0x3FB8];
	_ =	sdelay $0x3  }
0x33: {  	p0 =	seq.s32 s10, $0x1;
	s10 =	sld [smem:$0x3FBA];
	_ =	sdelay $0x3  }
0x34: {  	[smem:$0x3FBA] =	sst s10  }
0x35: {  	s10 =	sld [smem:$0x3FB9];
	_ =	sdelay $0x3  }
0x36: {  	p1 =	seq.s32 s10, $0x1;
	s10 =	sld [smem:$0x3FBA];
	_ =	sdelay $0x3  }
0x37: {  	[smem:$0x3FBA] =	sst s10  }
0x38: {  	s10 =	sld [smem:$0x3FBB]  }
0x39: {  	_ = 	snop;
	(pc) =	sbr.ind lr, $3  }
0x3a: {  	_ = 	snop  }
0x3b: {  	_ = 	snop  }
0x3c: {  	p2 =	seq.s32 s10, $0x1;
	s10 =	sld [smem:$0x3FBA]  }
0x3d: {  	_ =	shalt  }
0x3e: {  	_ =	shalt  }
0x3f: {  	_ =	shalt  }
0x40: {  	_ =	shalt  }
0x41: {  	_ =	shalt  }
0x42: {  	_ =	shalt  }
0x43: {  	_ =	shalt  }
0x44: {  	_ =	shalt  }
0x45: {  	_ =	shalt  }
0x46: {  	_ =	shalt  }
0x47: {  	_ =	shalt  }
0x48: {  	_ =	shalt  }
0x49: {  	_ =	shalt  }
0x4a: {  	_ =	shalt  }
0x4b: {  	_ =	shalt  }
0x4c: {  	_ =	shalt  }
0x4d: {  	_ =	shalt  }
0x4e: {  	_ =	shalt  }
0x4f: {  	_ =	shalt  }
0x50: {  	_ =	shalt  }
0x51: {  	_ =	shalt  }
0x52: {  	_ =	shalt  }
0x53: {  	_ =	shalt  }
0x54: {  	_ =	shalt  }
0x55: {  	_ =	shalt  }
0x56: {  	_ =	shalt  }
0x57: {  	_ =	shalt  }
0x58: {  	_ =	shalt  }
0x59: {  	_ =	shalt  }
0x5a: {  	_ =	shalt  }
0x5b: {  	_ =	shalt  }
0x5c: {  	_ =	shalt  }
0x5d: {  	_ =	shalt  }
0x5e: {  	_ =	shalt  }
0x5f: {  	_ =	shalt  }
0x60: {  	_ =	shalt  }
0x61: {  	_ =	shalt  }
0x62: {  	_ =	shalt  }
0x63: {  	_ =	shalt  }
0x64: {  	_ =	shalt  }
0x65: {  	_ =	shalt  }
0x66: {  	_ =	shalt  }
0x67: {  	_ =	shalt  }
0x68: {  	_ =	shalt  }
0x69: {  	_ =	shalt  }
0x6a: {  	_ =	shalt  }
0x6b: {  	_ =	shalt  }
0x6c: {  	_ =	shalt  }
0x6d: {  	_ =	shalt  }
0x6e: {  	_ =	shalt  }
0x6f: {  	_ =	shalt  }
0x70: {  	_ =	shalt  }
0x71: {  	_ =	shalt  }
0x72: {  	_ =	shalt  }
0x73: {  	_ =	shalt  }
0x74: {  	_ =	shalt  }
0x75: {  	_ =	shalt  }
0x76: {  	_ =	shalt  }
0x77: {  	_ =	shalt  }
0x78: {  	_ =	shalt  }
0x79: {  	_ =	shalt  }
0x7a: {  	_ =	shalt  }
0x7b: {  	_ =	shalt  }
0x7c: {  	_ =	shalt  }
0x7d: {  	_ =	shalt  }
0x7e: {  	_ =	shalt  }
0x7f: {  	_ =	shalt  }
0x80: {  	_ =	shalt  }
0x81: {  	_ =	shalt  }
0x82: {  	_ =	shalt  }
0x83: {  	_ =	shalt  }
0x84: {  	_ =	shalt  }
0x85: {  	_ =	shalt  }
0x86: {  	_ =	shalt  }
0x87: {  	_ =	shalt  }
.Lfunc_end0:
.L_simem_size_0:
called_computation_lowered:
.L_overlay_start_0:
0x88: {  	s2 =	sld [smem:$0x3FD9]  }
0x89: {  	s3 =	sld [smem:$0x3FFE];
	_ =	sdelay $0x1  }
0x8a: {  	s1 =	srdreg.scid  }
0x8b: {  	s0 =	sand.u32 $0x1, s1  }
0x8c: {  	s14 =	sshll.u32 s0, $0xA;
	s2 =	sadd.s32 s3, s2  }
0x8d: {  	s2 =	sadd.s32 s2, s14  }
0x8e: {  	[smem:$0x3FC6] =	sst s2  }
0x8f: {  	_ = 	snop  }
0x90: {  	s2 =	sld [smem:$0x3FD0];
	_ =	sdelay $0x2  }
0x91: {  	s15 =	simm.s32 $0xA;
	s4 =	simm.s32 $0x10  }
0x92: {  	[smem:s4], [sflag:s15] =	dma.local [hbm:s2], $0x1  }
0x93: {  	_ =	swait.eq [sflag:s15], $0x1  }
0x94: {  	[sflag:s15] =	ssyncset.done $0x0  }
0x95: {  	[sflag:s15] =	ssyncadd.s32 $0xFFFFFFFF  }
0x96: {  	s16 =	sld [smem:$0x10];
	(tm) =	ssettm $0x1  }
0x97: {  	s17 =	sld [smem:$0x3FFB];
	_ =	sdelay $0x3  }
0x98: {  	_ =	strace s17  }
0x99: {  	s3 =	sld [smem:$0x3FFC];
	_ =	sdelay $0x3  }
0x9a: {  	_ =	strace s3  }
0x9b: {  	s3 =	sld [smem:$0x3FFD];
	_ =	sdelay $0x3  }
0x9c: {  	_ =	strace s3  }
0x9d: {  	_ =	strace $0x8FFFFFFF  }
0x9e: {  	s18 =	sld [smem:$0x3FDB];
	_ =	sdelay $0x1  }
0x9f: {  	s19 =	simm.s32 $_scs_section_size  }
0xa0: {  	s5 =	simm.s32 $_size__tile_overlayer_lowered;
	s6 =	simm.s32 $_tile_overlayer_lowered  }
0xa1: {  	s22 =	simm.s32 $0x1BFF;
	s21 =	sshll.u32 s6, $0x1;
	s3 =	sadd.s32 s19, s18  }
0xa2: {  	s7 =	simm.s32 $0x0;
	s20 =	sshll.u32 s5, $0x1;
	s5 =	sadd.s32 s21, s3  }
0xa3: {  	[timem:s7], [sflag:s22] =	dma.local [hbm:s5], s20  }
0xa4: {  	_ =	swait.ge [sflag:s22], s20  }
0xa5: {  	s4 =	ssub.s32 $0x0, s20;
	[sflag:s22] =	ssyncset.done $0x0  }
0xa6: {  	[sflag:s22] =	ssyncadd.s32 s4;
	_ =	sdelay $0x1  }
0xa7: {  	s23 =	simm.s32 $0x1B8B  }
0xa8: {  	_ =	swait.ge [sflag:s23], $0x1  }
0xa9: {  	[sflag:s23] =	ssyncset.done $0x0  }
0xaa: {  	s25 =	simm.s32 $0x1B8E;
	s24 =	sld [smem:$0x3FFE];
	[sflag:s23] =	ssyncadd.s32 $0xFFFFFFFF  }
0xab: {  	s26 =	simm.s32 $execute0_lowered;
	[smem:$0x3FD2] =	sst s25  }
0xac: {  	s5 =	sshll.u32 s26, $0x1;
	_ =	strace $0x80000046;
	[dreg:$0x1] =	wrdreg $0xFFFFFFFF  }
0xad: {  	s28 =	simm.s32 $_size_execute0_lowered;
	s3 =	sadd.s32 s3, s5;
	[dreg:$0x0] =	wrdreg $0x0  }
0xae: {  	s5 =	sshll.u32 s28, $0x1;
	[dreg:$0x2] =	wrdreg s3  }
0xaf: {  	[dreg:$0x3] =	wrdreg s5  }
0xb0: {  	[dreg:$0x4] =	wrdreg $0xC0  }
0xb1: {  	_ =	task [dreg:s7], $0x5FFFF  }
0xb2: {  	[dreg:$0x1] =	wrdreg $0xFFFFFFFF  }
0xb3: {  	[dreg:$0x0] =	wrdreg $0x60  }
0xb4: {  	[dreg:$0x2] =	wrdreg s24  }
0xb5: {  	[dreg:$0x3] =	wrdreg s16  }
0xb6: {  	[dreg:$0x4] =	wrdreg $0x9  }
0xb7: {  	_ =	task.clear_ibuf [dreg:s7], $0x5FFFF;
	_ =	strace $0x90000046  }
0xb8: {  	s29 =	simm.s32 $0x9;
	_ =	strace $0x80000048  }
0xb9: {  	_ =	swait.ge [sflag:s29], $0x1  }
0xba: {  	[sflag:s29] =	ssyncadd.s32 $0xFFFFFFFF  }
0xbb: {  	_ =	strace $0x90000048  }
0xbc: {  	_ =	sfence  }
0xbd: {  	s30 =	sld [smem:$0x0];
	_ =	sdelay $0x2  }
0xbe: {  	s31 =	sshll.u32 s1, $0xD;
	s1 =	sshrl.u32 s1, $0x2  }
0xbf: {  	s3 =	sand.u32 $0x4000, s31;
	s1 =	sadd.s32 s1, s30  }
0xc0: {  	s0 =	sor.u32 s3, s0;
	s1 =	sshll.u32 s1, $0x11  }
0xc1: {  	s0 =	sor.u32 s1, s0  }
0xc2: {  	s0 =	sadd.s32 $0x8F2B, s0  }
0xc3: {  	[sflag:s0] =	ssyncadd.remote.s32 $0x1  }
0xc4: {  	_ =	sfence.sel $0xFFFF  }
0xc5: {  	[dreg:$0x0] =	wrdreg $0xFFFFFFFF;
	(pc) =	sbr.abs _section_cstart, $3  }
0xc6: {  	[dreg:$0x1] =	wrdreg $0xFFFFFFFF  }
0xc7: {  	_ =	task.clear_ibuf [dreg:s7], $0x2FFFF;
	_ =	strace $0x9FFFFFFF  }
0xc8: {  	(tm) =	ssettm $0x7FFFFFFF  }
0xc9: {  	_ =	shalt  }
tec
execute0_lowered:
.L_overlay_start_1:
0x0: {  	(tag) =	ssettag $0x1  }
0x1: {  	s6 =	rddreg [dreg:$0x0]  }
0x2: {  	s1 =	rddreg [dreg:$0x1]  }
0x3: {  	s0 =	rddreg [dreg:$0x2];
	s2 =	simm.s32 $0x0;
	s3 =	srdreg.scid  }
0x4: {  	s10 =	simm.s32 $0x400;
	s11 =	simm.s32 $0x1800;
	s12 =	simm.s32 $0x9680  }
0x5: {  	s13 =	simm.s32 $0xF680;
	s14 =	simm.s32 $0xFA80;
	s15 =	simm.s32 $0x15A80  }
0x6: {  	s16 =	simm.s32 $0x15E80;
	s17 =	simm.s32 $0x1BE80;
	s18 =	simm.s32 $0x0  }
0x7: {  	[smem:$0x7FF] =	sst s2;
	s7 =	sand.u32 $0x1, s3;
	s4 =	sadd.s32 $0xE00, s6  }
0x8: {  	s5 =	sadd.s32 $0x258E00, s6;
	s3 =	stileid.u32;
	s8 =	ssub.s32 $0x2, s7  }
0x9: {  	s6 =	sadd.s32 $0x25A200, s6;
	s7 =	sshll.u32 s7, $0x4;
	s9 =	sshrl.u32 s8, $0x1  }
0xa: {  	_ =	strace $0x80000047;
	s7 =	sor.u32 s3, s7;
	s8 =	ssub.s32 s8, s9  }
0xb: {  	s7 =	smul.u32 $0x6, s7;
	s9 =	simm.s32 $0x1;
	s8 =	smax.u32 s8, $0x1  }
.LBB2_1:
0xc: {  	[tilespmem:s2], [sflag:$0x1] =	stream.linear.gather [hbm4b:s5+s2], $0x9680, $0x38;
	[tilespmem:$0x1C280] =	vst v63  }
0xd: {  	_ =	swait.ge [sflag:s9], $0x9680  }
0xe: {  	[sflag:s9] =	ssyncset.done $0x0  }
0xf: {  	s19 =	simm.s32 $0x0;
	[sflag:s9] =	ssyncadd.s32 $0xFFFF6980  }
.LBB2_2:
0x10: {  	s20 =	sadd.s32 s7, s19  }
0x11: {  	s21 =	smulhi.u32 $0xAAAAAAAB, s20;
	_ =	sdelay $0x1  }
0x12: {  	s21 =	sshrl.u32 s21, $0x2  }
0x13: {  	s22 =	smul.u32 $0x6, s21;
	_ =	sdelay $0x1  }
0x14: {  	s21 =	smul.u32 $0x25800, s21;
	s20 =	ssub.s32 s20, s22  }
0x15: {  	s20 =	sshll.u32 s20, $0xA  }
0x16: {  	s20 =	sadd.s32 s21, s20  }
0x17: {  	s20 =	sshrl.u32 s20, $0x3  }
0x18: {  	s29 =	sadd.s32 s4, s20  }
0x19: {  	s21 =	sadd.s32 $0x1C2000, s29  }
0x1a: {  	[tilespmem:s12], [sflag:$0x1] =	stream.strided.gather [hbm4b:s21+s10], $0x6000, s11, s10, $0x38;
	[tilespmem:$0x1C280] =	vst v63  }
0x1b: {  	s24 =	simm.s32 $0x1;
	s21 =	sadd.s32 $0x4800, s21  }
0x1c: {  	[tilespmem:s13], [sflag:$0x1] =	stream.linear.gather [hbm4b:s21+s2], $0x200, $0x38;
	[tilespmem:$0x1C280] =	vst v63  }
0x1d: {  	_ =	swait.ge [sflag:s24], $0x6200  }
0x1e: {  	[sflag:s24] =	ssyncset.done $0x0  }
0x1f: {  	[sflag:s24] =	ssyncadd.s32 $0xFFFF9E00  }
0x20: {  	v1 =	vld [tilespmem:$0x9680]  }
0x21: {  	v2 =	vld [tilespmem:$0x9690]  }
0x22: {  	v3 =	vld [tilespmem:$0x96A0]  }
0x23: {  	v4 =	vld [tilespmem:$0x96B0]  }
0x24: {  	v5 =	vld [tilespmem:$0x96C0]  }
0x25: {  	v6 =	vld [tilespmem:$0x96D0]  }
0x26: {  	s30 =	simm.s32 $0x9770;
	v7 =	vld [tilespmem:$0x96E0]  }
0x27: {  	v8 =	vld [tilespmem:s30+$0xFFFFFF90]  }
0x28: {  	v9 =	vld [tilespmem:s30+$0xFFFFFFA0]  }
0x29: {  	v12 =	vld [tilespmem:s30+$0xFFFFFFB0]  }
0x2a: {  	v13 =	vld [tilespmem:s30+$0xFFFFFFC0]  }
0x2b: {  	v15 =	vld [tilespmem:s30+$0xFFFFFFD0]  }
0x2c: {  	v18 =	vld [tilespmem:s30+$0xFFFFFFE0]  }
0x2d: {  	v22 =	vld [tilespmem:s30+$0xFFFFFFF0]  }
0x2e: {  	v10 =	vld [tilespmem:$0x96F0]  }
0x2f: {  	s31 =	simm.s32 $0x97F0;
	v24 =	vld [tilespmem:s30+$0x0]  }
0x30: {  	v0 =	vimm.s32 $0x0;
	v23 =	vld [tilespmem:s31+$0xFFFFFF90];
	vm0 =	vgt.f32 v8, v1;
	vm1 =	vgt.f32 v9, v2  }
0x31: {  	v16 =	vld [tilespmem:s31+$0xFFFFFFA0];
	vm2 =	vgt.f32 v12, v3;
	vm3 =	vgt.f32 v13, v4;
	vm4 =	vgt.f32 v15, v5  }
0x32: {  	v21 =	vld [tilespmem:s31+$0xFFFFFFB0];
	vm5 =	vgt.f32 v18, v6;
	vm6 =	vgt.f32 v22, v7;
	v19 =	vsel vm0, v8, v1  }
0x33: {  	v11 =	vld [tilespmem:s31+$0xFFFFFFC0];
	v20 =	vsel vm0, s24, v0;
	v17 =	vsel vm1, v9, v2;
	v14 =	vsel vm2, v12, v3  }
0x34: {  	v12 =	vsel vm3, v13, v4;
	v8 =	vsel vm4, v15, v5;
	v9 =	vld [tilespmem:s31+$0xFFFFFFD0];
	vm0 =	vgt.f32 v24, v10  }
0x35: {  	v5 =	vld [tilespmem:s31+$0xFFFFFFE0];
	v6 =	vsel vm5, v18, v6;
	v2 =	vsel vm6, v22, v7;
	v22 =	vsel vm1, s24, v0  }
0x36: {  	v4 =	vld [tilespmem:s31+$0xFFFFFFF0];
	v18 =	vsel vm2, s24, v0;
	v15 =	vsel vm3, s24, v0;
	v13 =	vsel vm4, s24, v0  }
0x37: {  	s25 =	simm.s32 $0x2;
	s22 =	simm.s32 $0x3;
	s21 =	simm.s32 $0x9870;
	v3 =	vld [tilespmem:s31+$0x0];
	v7 =	vsel vm6, s24, v0;
	v1 =	vsel vm0, v24, v10;
	v10 =	vsel vm5, s24, v0  }
.LBB2_3:
0x38: {  	v24 =	vld [tilespmem:s21+$0xFFFFFF90];
	p0 =	sne.s32 s22, $0xC3;
	vm1 =	vgt.f32 v23, v19;
	vm2 =	vgt.f32 v16, v17;
	v0 =	vsel vm0, s24, v0;
	s24 =	smov.u32 s25;
	s25 =	smov.u32 s22  }
0x39: {  	v19 =	vsel vm1, v23, v19;
	v20 =	vsel vm1, s24, v20;
	v17 =	vsel vm2, v16, v17;
	v16 =	vld [tilespmem:s21+$0xFFFFFFA0]  }
0x3a: {  	vm3 =	vgt.f32 v11, v12;
	vm1 =	vgt.f32 v21, v14;
	vm4 =	vgt.f32 v9, v8;
	v25 =	vld [tilespmem:s21+$0xFFFFFFB0]  }
.Ltmp0:
0x3b: {  	v12 =	vsel vm3, v11, v12;
	v14 =	vsel vm1, v21, v14;
	v8 =	vsel vm4, v9, v8;
	v11 =	vld [tilespmem:s21+$0xFFFFFFC0];
	(pc) =	sbr.rel @p0 .LBB2_3-.Ltmp0, $4  }
0x3c: {  	vm5 =	vgt.f32 v5, v6;
	vm6 =	vgt.f32 v4, v2;
	v9 =	vld [tilespmem:s21+$0xFFFFFFD0];
	vm0 =	vgt.f32 v3, v1  }
0x3d: {  	v6 =	vsel vm5, v5, v6;
	v2 =	vsel vm6, v4, v2;
	v5 =	vld [tilespmem:s21+$0xFFFFFFE0];
	v1 =	vsel vm0, v3, v1;
	v23 =	vmovc v24  }
0x3e: {  	v22 =	vsel vm2, s24, v22;
	v15 =	vsel vm3, s24, v15;
	v18 =	vsel vm1, s24, v18;
	v4 =	vld [tilespmem:s21+$0xFFFFFFF0]  }
0x3f: {  	s22 =	sadd.s32 $0x1, s22;
	v13 =	vsel vm4, s24, v13;
	v10 =	vsel vm5, s24, v10;
	v7 =	vsel vm6, s24, v7;
	v3 =	vld [tilespmem:s21+$0x0];
	s21 =	sadd.s32 $0x80, s21;
	v21 =	vmovc v25  }
0x40: {  	vm1 =	vgt.f32 v23, v19  }
0x41: {  	v20 =	vsel vm1, s25, v20  }
0x42: {  	v19 =	vsel vm1, v23, v19;
	v20 =	vmul.u32 $0xC4, v20  }
0x43: {  	vm1 =	veq.f32 v19, $0.0e+00  }
0x44: {  	v19 =	vsel vm1, $0x954C, v20;
	_ =	sdelay $0x2  }
0x45: {  	s21 =	simm.s32 $0x96C0  }
0x46: {  	v58 =	vld [tilespmem:s21+$0xFFFFFFC0]  }
0x47: {  	vm9 =	vgt.f32 v16, v17;
	v20 =	vld.idx.msk [tilespmem:v19+s2+$0x0], $0xffff  }
0x48: {  	v22 =	vsel vm9, s25, v22  }
0x49: {  	v16 =	vsel vm9, v16, v17;
	v59 =	vmul.u32 $0xC4, v22  }
0x4a: {  	vm1 =	veq.f32 v16, $0.0e+00  }
0x4b: {  	v16 =	vsel vm1, $0x954C, v59  }
0x4c: {  	v60 =	vmul.f32 v58, v20  }
0x4d: {  	s23 =	simm.s32 $0xFAC0  }
0x4e: {  	s22 =	simm.s32 $0x15EC0;
	[tilespmem:s23+$0xFFFFFFC0] =	vst v20;
	v17 =	vmax.f32 v60, $0.0e+00  }
0x4f: {  	[tilespmem:s22+$0xFFFFFFC0] =	vst v17  }
0x50: {  	v17 =	vld.idx.msk [tilespmem:v16+s2+$0x0], $0xffff  }
0x51: {  	vm10 =	vgt.f32 v21, v14;
	v20 =	vld [tilespmem:s21+$0xFFFFFFD0]  }
0x52: {  	v18 =	vsel vm10, s25, v18  }
0x53: {  	v14 =	vsel vm10, v21, v14;
	v18 =	vmul.u32 $0xC4, v18  }
0x54: {  	vm1 =	veq.f32 v14, $0.0e+00  }
0x55: {  	v14 =	vsel vm1, $0x954C, v18  }
0x56: {  	v61 =	vmul.f32 v20, v17;
	_ =	sdelay $0x1  }
0x57: {  	[tilespmem:s23+$0xFFFFFFD0] =	vst v17;
	v62 =	vmax.f32 v61, $0.0e+00  }
0x58: {  	[tilespmem:s22+$0xFFFFFFD0] =	vst v62  }
0x59: {  	v17 =	vld.idx.msk [tilespmem:v14+s2+$0x0], $0xffff  }
0x5a: {  	vm11 =	vgt.f32 v11, v12;
	v63 =	vld [tilespmem:s21+$0xFFFFFFE0]  }
0x5b: {  	v15 =	vsel vm11, s25, v15  }
0x5c: {  	v11 =	vsel vm11, v11, v12;
	v12 =	vmul.u32 $0xC4, v15  }
0x5d: {  	vm1 =	veq.f32 v11, $0.0e+00  }
0x5e: {  	v11 =	vsel vm1, $0x954C, v12  }
0x5f: {  	v12 =	vmul.f32 v63, v17;
	_ =	sdelay $0x1  }
0x60: {  	[tilespmem:s23+$0xFFFFFFE0] =	vst v17;
	v12 =	vmax.f32 v12, $0.0e+00  }
0x61: {  	[tilespmem:s22+$0xFFFFFFE0] =	vst v12  }
0x62: {  	v12 =	vld.idx.msk [tilespmem:v11+s2+$0x0], $0xffff  }
0x63: {  	vm12 =	vgt.f32 v9, v8;
	v15 =	vld [tilespmem:s21+$0xFFFFFFF0]  }
0x64: {  	v13 =	vsel vm12, s25, v13  }
0x65: {  	v8 =	vsel vm12, v9, v8;
	v9 =	vmul.u32 $0xC4, v13  }
0x66: {  	vm1 =	veq.f32 v8, $0.0e+00  }
0x67: {  	v8 =	vsel vm1, $0x954C, v9  }
0x68: {  	v9 =	vmul.f32 v15, v12;
	_ =	sdelay $0x1  }
0x69: {  	[tilespmem:s23+$0xFFFFFFF0] =	vst v12;
	v9 =	vmax.f32 v9, $0.0e+00  }
0x6a: {  	[tilespmem:s22+$0xFFFFFFF0] =	vst v9  }
0x6b: {  	v9 =	vld.idx.msk [tilespmem:v8+s2+$0x0], $0xffff  }
0x6c: {  	vm13 =	vgt.f32 v5, v6;
	v12 =	vld [tilespmem:s21+$0x0]  }
0x6d: {  	v10 =	vsel vm13, s25, v10  }
0x6e: {  	v5 =	vsel vm13, v5, v6;
	v6 =	vmul.u32 $0xC4, v10  }
0x6f: {  	vm1 =	veq.f32 v5, $0.0e+00  }
0x70: {  	v5 =	vsel vm1, $0x954C, v6  }
0x71: {  	v6 =	vmul.f32 v12, v9;
	_ =	sdelay $0x1  }
0x72: {  	[tilespmem:s23+$0x0] =	vst v9;
	v6 =	vmax.f32 v6, $0.0e+00  }
0x73: {  	[tilespmem:s22+$0x0] =	vst v6  }
0x74: {  	v6 =	vld.idx.msk [tilespmem:v5+s2+$0x0], $0xffff  }
0x75: {  	vm14 =	vgt.f32 v4, v2;
	v9 =	vld [tilespmem:s21+$0x10]  }
0x76: {  	v7 =	vsel vm14, s25, v7  }
0x77: {  	v2 =	vsel vm14, v4, v2;
	v4 =	vmul.u32 $0xC4, v7  }
0x78: {  	vm1 =	veq.f32 v2, $0.0e+00  }
0x79: {  	v7 =	vsel vm1, $0x954C, v4  }
0x7a: {  	v2 =	vmul.f32 v9, v6;
	_ =	sdelay $0x1  }
0x7b: {  	[tilespmem:s23+$0x10] =	vst v6;
	v2 =	vmax.f32 v2, $0.0e+00  }
0x7c: {  	[tilespmem:s22+$0x10] =	vst v2  }
0x7d: {  	v2 =	vld.idx.msk [tilespmem:v7+s2+$0x0], $0xffff  }
0x7e: {  	v0 =	vsel vm0, s24, v0;
	vm15 =	vgt.f32 v3, v1;
	v4 =	vld [tilespmem:s21+$0x20]  }
0x7f: {  	v0 =	vsel vm15, s25, v0  }
0x80: {  	v1 =	vsel vm15, v3, v1;
	v0 =	vmul.u32 $0xC4, v0  }
0x81: {  	vm0 =	veq.f32 v1, $0.0e+00  }
0x82: {  	v9 =	vsel vm0, $0x954C, v0  }
0x83: {  	v0 =	vmul.f32 v4, v2;
	_ =	sdelay $0x1  }
0x84: {  	[tilespmem:s23+$0x20] =	vst v2;
	v0 =	vmax.f32 v0, $0.0e+00  }
0x85: {  	[tilespmem:s22+$0x20] =	vst v0  }
0x86: {  	v10 =	vld.idx.msk [tilespmem:v9+s2+$0x0], $0xffff  }
0x87: {  	v12 =	vld [tilespmem:s21+$0x30];
	_ =	sdelay $0x3  }
0x88: {  	s25 =	simm.s32 $0x0;
	v1 =	vor.u32 $0x1, v16;
	v3 =	vor.u32 $0x1, v11;
	v0 =	vor.u32 $0x1, v19  }
0x89: {  	v5 =	vor.u32 $0x1, v5;
	v13 =	vmul.f32 v12, v10;
	v12 =	vadd.s32 s25, v0  }
0x8a: {  	v6 =	vor.u32 $0x1, v7;
	v7 =	vor.u32 $0x1, v9;
	v4 =	vor.u32 $0x1, v8  }
0x8b: {  	v2 =	vor.u32 $0x1, v14;
	v8 =	vadd.s32 s25, v7;
	v11 =	vadd.s32 s25, v4  }
0x8c: {  	s24 =	simm.s32 $0x1;
	v9 =	vadd.s32 s25, v6;
	[tilespmem:s23+$0x30] =	vst v10;
	v10 =	vadd.s32 s25, v5;
	v13 =	vmax.f32 v13, $0.0e+00  }
.LBB2_5:
0x8d: {  	v14 =	vadd.s32 s25, v1;
	v15 =	vadd.s32 s25, v2;
	v16 =	vadd.s32 s25, v3;
	[tilespmem:s22+$0x30] =	vst v13;
	s23 =	sadd.s32 $0x80, s23;
	s22 =	sadd.s32 $0x80, s22;
	s21 =	sadd.s32 $0x80, s21  }
0x8e: {  	p0 =	sne.s32 s24, $0xC3;
	s25 =	smov.u32 s24;
	s24 =	sadd.s32 $0x1, s24;
	v12 =	vld.idx.msk [tilespmem:v12+s2+$0x0], $0xffff  }
0x8f: {  	v13 =	vld [tilespmem:s21+$0xFFFFFFC0];
	_ =	sdelay $0x4  }
0x90: {  	v13 =	vmul.f32 v13, v12;
	_ =	sdelay $0x1  }
0x91: {  	[tilespmem:s23+$0xFFFFFFC0] =	vst v12;
	v12 =	vmax.f32 v13, $0.0e+00  }
0x92: {  	[tilespmem:s22+$0xFFFFFFC0] =	vst v12  }
0x93: {  	v12 =	vld.idx.msk [tilespmem:v14+s2+$0x0], $0xffff  }
0x94: {  	v13 =	vld [tilespmem:s21+$0xFFFFFFD0];
	_ =	sdelay $0x4  }
0x95: {  	v13 =	vmul.f32 v13, v12;
	_ =	sdelay $0x1  }
0x96: {  	[tilespmem:s23+$0xFFFFFFD0] =	vst v12;
	v12 =	vmax.f32 v13, $0.0e+00  }
0x97: {  	[tilespmem:s22+$0xFFFFFFD0] =	vst v12  }
0x98: {  	v12 =	vld.idx.msk [tilespmem:v15+s2+$0x0], $0xffff  }
0x99: {  	v13 =	vld [tilespmem:s21+$0xFFFFFFE0];
	_ =	sdelay $0x4  }
0x9a: {  	v13 =	vmul.f32 v13, v12;
	_ =	sdelay $0x1  }
0x9b: {  	[tilespmem:s23+$0xFFFFFFE0] =	vst v12;
	v12 =	vmax.f32 v13, $0.0e+00  }
0x9c: {  	[tilespmem:s22+$0xFFFFFFE0] =	vst v12  }
0x9d: {  	v12 =	vld.idx.msk [tilespmem:v16+s2+$0x0], $0xffff  }
0x9e: {  	v13 =	vld [tilespmem:s21+$0xFFFFFFF0];
	_ =	sdelay $0x4  }
0x9f: {  	v13 =	vmul.f32 v13, v12;
	_ =	sdelay $0x1  }
0xa0: {  	[tilespmem:s23+$0xFFFFFFF0] =	vst v12;
	v12 =	vmax.f32 v13, $0.0e+00  }
0xa1: {  	[tilespmem:s22+$0xFFFFFFF0] =	vst v12  }
0xa2: {  	v11 =	vld.idx.msk [tilespmem:v11+s2+$0x0], $0xffff  }
0xa3: {  	v12 =	vld [tilespmem:s21+$0x0];
	_ =	sdelay $0x4  }
0xa4: {  	[tilespmem:s23+$0x0] =	vst v11;
	v11 =	vmul.f32 v12, v11;
	_ =	sdelay $0x1  }
0xa5: {  	v11 =	vmax.f32 v11, $0.0e+00  }
0xa6: {  	[tilespmem:s22+$0x0] =	vst v11  }
0xa7: {  	v10 =	vld.idx.msk [tilespmem:v10+s2+$0x0], $0xffff  }
0xa8: {  	v11 =	vld [tilespmem:s21+$0x10];
	_ =	sdelay $0x4  }
0xa9: {  	[tilespmem:s23+$0x10] =	vst v10;
	v10 =	vmul.f32 v11, v10;
	_ =	sdelay $0x1  }
0xaa: {  	v10 =	vmax.f32 v10, $0.0e+00  }
0xab: {  	[tilespmem:s22+$0x10] =	vst v10  }
0xac: {  	v9 =	vld.idx.msk [tilespmem:v9+s2+$0x0], $0xffff  }
0xad: {  	v10 =	vld [tilespmem:s21+$0x20];
	_ =	sdelay $0x4  }
0xae: {  	[tilespmem:s23+$0x20] =	vst v9;
	v9 =	vmul.f32 v10, v9;
	_ =	sdelay $0x1  }
0xaf: {  	v9 =	vmax.f32 v9, $0.0e+00  }
0xb0: {  	[tilespmem:s22+$0x20] =	vst v9  }
0xb1: {  	v8 =	vld.idx.msk [tilespmem:v8+s2+$0x0], $0xffff  }
0xb2: {  	v9 =	vld [tilespmem:s21+$0x30];
	_ =	sdelay $0x2  }
.Ltmp1:
0xb3: {  	(pc) =	sbr.rel @p0 .LBB2_5-.Ltmp1, $4  }
0xb4: {  	v12 =	vadd.s32 s25, v0  }
0xb5: {  	[tilespmem:s23+$0x30] =	vst v8;
	v13 =	vmul.f32 v9, v8  }
0xb6: {  	v9 =	vadd.s32 s25, v6;
	v8 =	vadd.s32 s25, v7  }
0xb7: {  	v11 =	vadd.s32 s25, v4;
	v10 =	vadd.s32 s25, v5;
	v13 =	vmax.f32 v13, $0.0e+00  }
0xb8: {  	[tilespmem:s22+$0x30] =	vst v13;
	s21 =	sadd.s32 s6, s20  }
0xb9: {  	[hbm4b:s21+s10] =	stream.strided.scatter [tilespmem:s14], [sflag:$0x1], $0x6000, s11, s10, $0x38;
	[tilespmem:$0x1C280] =	vst v63  }
0xba: {  	s21 =	sadd.s32 $0x4800, s21  }
0xbb: {  	[hbm4b:s21+s2] =	stream.linear.scatter [tilespmem:s15], [sflag:$0x1], $0x200, $0x38;
	[tilespmem:$0x1C280] =	vst v63  }
0xbc: {  	_ =	swait.ge [sflag:s9], $0x6200  }
0xbd: {  	s19 =	sadd.s32 $0x1, s19;
	[sflag:s9] =	ssyncset.done $0x0  }
0xbe: {  	s31 =	sadd.s32 s1, s20;
	p0 =	sne.s32 s19, $0x6;
	[sflag:s9] =	ssyncadd.s32 $0xFFFF9E00  }
0xbf: {  	[hbm4b:s31+s10] =	stream.strided.scatter [tilespmem:s16], [sflag:$0x1], $0x6000, s11, s10, $0x38;
	[tilespmem:$0x1C280] =	vst v63  }
.Ltmp2:
0xc0: {  	s20 =	sadd.s32 $0x4800, s31;
	(pc) =	sbr.rel @p0 .LBB2_2-.Ltmp2, $4  }
0xc1: {  	[hbm4b:s20+s2] =	stream.linear.scatter [tilespmem:s17], [sflag:$0x1], $0x200, $0x38;
	[tilespmem:$0x1C280] =	vst v63  }
0xc2: {  	_ =	swait.ge [sflag:s9], $0x6200  }
0xc3: {  	[sflag:s9] =	ssyncset.done $0x0  }
0xc4: {  	[sflag:s9] =	ssyncadd.s32 $0xFFFF9E00  }
0xc5: {  	s18 =	sadd.s32 $0x1, s18  }
0xc6: {  	p0 =	sne.s32 s18, s8  }
.Ltmp3:
0xc7: {  	_ = 	snop;
	(pc) =	sbr.rel @p0 .LBB2_1-.Ltmp3, $1  }
0xc8: {  	_ =	sdelay $0x3  }
0xc9: {  	_ =	sfence.sel $0x180000  }
0xca: {  	[bflag:$0x0] =	sbarrier.arrive $0xFFFF  }
0xcb: {  	p0 =	sne.s32 s3, $0x0;
	_ =	strace $0x90000047  }
0xcc: {  	s0 =	sadd.s32 @!p0 $0x100000, s0;
	[bflag:$0x2] =	sbarrier.arrive $0xFFFF  }
0xcd: {  	[sflag:s0] =	ssyncadd.tile.s32 @!p0 $0x1;
	_ =	shalt  }
.Lfunc_end2:
_tile_overlayer_lowered:
.L_overlay_start_2:
0xce: {  	(tag) =	ssettag $0x2  }
0xcf: {  	s0 =	rddreg [dreg:$0x0];
	s2 =	stileid.u32  }
0xd0: {  	s1 =	rddreg [dreg:$0x1];
	p0 =	sne.s32 s2, $0x0  }
0xd1: {  	s3 =	rddreg [dreg:$0x2];
	[bflag:$0x3] =	sbarrier.arrive $0xFFFF;
	s2 =	simm.s32 @!p0 $0x1C02  }
0xd2: {  	[timem:s3], [sflag:s2] =	dma.local @!p0 [hbm:s0], s1  }
0xd3: {  	s0 =	simm.s32 @!p0 $0x2  }
0xd4: {  	_ =	swait.ge @!p0 [sflag:s0], s1  }
0xd5: {  	s1 =	ssub.s32 @!p0 $0x0, s1;
	[sflag:s0] =	ssyncset.done @!p0 $0x0  }
0xd6: {  	[sflag:s0] =	ssyncadd.s32 @!p0 s1  }
0xd7: {  	[bflag:$0x3] =	sbarrier.arrive $0xFFFF  }
0xd8: {  	_ =	shalt  }

</sc_bundles>
